<compile_context>
chip_gen: v7x
topology: tpu7x:2x2x1
jax: 0.10.2.dev20260603
libtpu: 0.0.44.dev20260713+nightly
codegen_flags: <defaults>
</compile_context>

<pallas_src>
import jax
import jax.numpy as jnp
from jax import lax
from jax.experimental import pallas as pl
from jax.experimental.pallas import tpu as pltpu
from jax.experimental.pallas import tpu_sc as plsc

NC, NS, L = 2, 16, 16
NW = NC * NS
R, D = 4096, 8192
ROWS_PER_W = R // NW
VECS = D // L
NBUF = 4


def _gather_body(attr_hbm, idx_hbm, out_hbm, *refs):
    arow = refs[0:NBUF]
    irow = refs[NBUF:2 * NBUF]
    orow = refs[2 * NBUF:3 * NBUF]
    sem_in = refs[3 * NBUF:4 * NBUF]
    sem_out = refs[4 * NBUF:5 * NBUF]

    wid = lax.axis_index("s") * NC + lax.axis_index("c")

    def row_of(r):
        return wid + r * NW

    for b in range(NBUF - 1):
        pltpu.async_copy(attr_hbm.at[row_of(b)], arow[b], sem_in[b])
        pltpu.async_copy(idx_hbm.at[row_of(b)], irow[b], sem_in[b])

    def block(r0, carry):
        for b in range(NBUF):
            r = r0 * NBUF + b
            row = row_of(r)

            @pl.when(r + NBUF - 1 < ROWS_PER_W)
            def _():
                nb = (b + NBUF - 1) % NBUF
                pltpu.async_copy(attr_hbm.at[row_of(r + NBUF - 1)], arow[nb],
                                 sem_in[nb])
                pltpu.async_copy(idx_hbm.at[row_of(r + NBUF - 1)], irow[nb],
                                 sem_in[nb])

            pltpu.make_async_copy(attr_hbm.at[row], arow[b],
                                  sem_in[b]).wait()
            pltpu.make_async_copy(idx_hbm.at[row], irow[b],
                                  sem_in[b]).wait()

            @pl.when(r >= NBUF)
            def _():
                pltpu.make_async_copy(orow[b], out_hbm.at[row_of(r - NBUF)],
                                      sem_out[b]).wait()

            ab, ib, ob = arow[b], irow[b], orow[b]

            @plsc.parallel_loop(0, VECS, unroll=8)
            def _(i):
                idx = ib[pl.ds(i * L, L)]
                ob[pl.ds(i * L, L)] = plsc.load_gather(ab, [idx])

            pltpu.async_copy(ob, out_hbm.at[row], sem_out[b])
        return carry

    lax.fori_loop(0, ROWS_PER_W // NBUF, block, 0)

    for b in range(NBUF):
        pltpu.make_async_copy(orow[b],
                              out_hbm.at[row_of(ROWS_PER_W - NBUF + b)],
                              sem_out[b]).wait()


@jax.jit
def kernel(attr, batch_idxs):
    mesh = plsc.VectorSubcoreMesh(
        core_axis_name="c", subcore_axis_name="s", num_cores=NC, num_subcores=NS
    )
    k = pl.kernel(
        _gather_body,
        out_type=jax.ShapeDtypeStruct((R, D), jnp.float32),
        mesh=mesh,
        scratch_types=(
            [pltpu.VMEM((D,), jnp.float32) for _ in range(NBUF)]
            + [pltpu.VMEM((D,), jnp.int32) for _ in range(NBUF)]
            + [pltpu.VMEM((D,), jnp.float32) for _ in range(NBUF)]
            + [pltpu.SemaphoreType.DMA for _ in range(2 * NBUF)]
        ),
        compiler_params=pltpu.CompilerParams(needs_layout_passes=False),
    )
    return k(attr, batch_idxs)

# --- scband reference (transcript-rebuilt; emitter-appended) ---
"""Pipeline reference for scband-buffer-9491877724209 (READ-ONLY COPY).

The authoritative reference and input builder live on the scoring server;
editing this copy changes nothing except your own understanding.
"""

import jax, jax.numpy as jnp
import numpy as np


def setup_inputs(seed: int = 0) -> dict:
    key = jax.random.key(seed)
    k1, k2 = jax.random.split(key)
    attr = jax.random.normal(k1, (4096, 8192), dtype=jnp.float32)
    batch_idxs = jax.random.randint(k2, (4096, 8192), 0, 8192, dtype=jnp.int32)
    return {"attr": attr, "batch_idxs": batch_idxs}


def reference(attr, batch_idxs):
    # Faithful translation of Buffer.batch_get:
    #   torch.gather(attr, -1, batch_idxs) == jnp.take_along_axis(attr, batch_idxs, axis=-1)
    return jnp.take_along_axis(attr, batch_idxs, axis=-1)

if __name__ == "__main__":
    import jax
    _d = setup_inputs()
    print(jax.jit(kernel)(*tuple(_d.values())))

</pallas_src>

<mosaic_0001>
#map = affine_map<(d0, d1) -> (0, 0)>
module attributes {stable_mosaic.version = 14 : i64} {
  func.func @_gather_body(%arg0: i32, %arg1: i32, %arg2: memref<4096x8192xf32, #tpu.memory_space<hbm>>, %arg3: memref<4096x8192xi32, #tpu.memory_space<hbm>>, %arg4: memref<4096x8192xf32, #tpu.memory_space<hbm>>, %arg5: memref<8192xf32, #tpu.memory_space<vmem>>, %arg6: memref<8192xf32, #tpu.memory_space<vmem>>, %arg7: memref<8192xf32, #tpu.memory_space<vmem>>, %arg8: memref<8192xf32, #tpu.memory_space<vmem>>, %arg9: memref<8192xi32, #tpu.memory_space<vmem>>, %arg10: memref<8192xi32, #tpu.memory_space<vmem>>, %arg11: memref<8192xi32, #tpu.memory_space<vmem>>, %arg12: memref<8192xi32, #tpu.memory_space<vmem>>, %arg13: memref<8192xf32, #tpu.memory_space<vmem>>, %arg14: memref<8192xf32, #tpu.memory_space<vmem>>, %arg15: memref<8192xf32, #tpu.memory_space<vmem>>, %arg16: memref<8192xf32, #tpu.memory_space<vmem>>, %arg17: memref<!tpu.dma_semaphore, #tpu.memory_space<semaphore_mem>>, %arg18: memref<!tpu.dma_semaphore, #tpu.memory_space<semaphore_mem>>, %arg19: memref<!tpu.dma_semaphore, #tpu.memory_space<semaphore_mem>>, %arg20: memref<!tpu.dma_semaphore, #tpu.memory_space<semaphore_mem>>, %arg21: memref<!tpu.dma_semaphore, #tpu.memory_space<semaphore_mem>>, %arg22: memref<!tpu.dma_semaphore, #tpu.memory_space<semaphore_mem>>, %arg23: memref<!tpu.dma_semaphore, #tpu.memory_space<semaphore_mem>>, %arg24: memref<!tpu.dma_semaphore, #tpu.memory_space<semaphore_mem>>) attributes {dimension_semantics = [#tpu.dimension_semantics<core_parallel>, #tpu.dimension_semantics<subcore_parallel>], iteration_bounds = array<i64: 2, 16>, scalar_prefetch = 0 : i64, scratch_operands = 20 : i64, tpu.core_type = #tpu.core_type<sc_vector_subcore>, window_params = [{transform_indices = #map}, {transform_indices = #map}, {transform_indices = #map}]} {
    %mul3A = arith.constant 2 : i32
    %mul3A_0 = arith.muli %arg1, %mul3A : i32
    %add3A = arith.addi %mul3A_0, %arg0 : i32
    %add3A_1 = arith.constant 0 : i32
    %add3A_2 = arith.addi %add3A, %add3A_1 : i32
    %dma_start3A = arith.constant 0 : i32
    %dma_start3A_3 = tpu.memref_slice %arg2[%add3A_2, %dma_start3A] : memref<4096x8192xf32, #tpu.memory_space<hbm>> -> memref<1x8192xf32, #tpu.memory_space<hbm>>
    %dma_start3A_4 = tpu.memref_squeeze %dma_start3A_3 : memref<1x8192xf32, #tpu.memory_space<hbm>> -> memref<8192xf32, #tpu.memory_space<hbm>>
    %dma_start3A_5 = arith.constant 0 : i32
    %dma_start3A_6 = tpu.memref_slice %arg2[%add3A_2, %dma_start3A_5] : memref<4096x8192xf32, #tpu.memory_space<hbm>> -> memref<1x8192xf32, #tpu.memory_space<hbm>>
    %dma_start3A_7 = tpu.memref_squeeze %dma_start3A_6 : memref<1x8192xf32, #tpu.memory_space<hbm>> -> memref<8192xf32, #tpu.memory_space<hbm>>
    tpu.enqueue_dma source(%dma_start3A_7 : memref<8192xf32, #tpu.memory_space<hbm>>) target(%arg5 : memref<8192xf32, #tpu.memory_space<vmem>>) target_semaphore(%arg17 : memref<!tpu.dma_semaphore, #tpu.memory_space<semaphore_mem>>)
    %add3A_8 = arith.constant 0 : i32
    %add3A_9 = arith.addi %add3A, %add3A_8 : i32
    %dma_start3A_10 = arith.constant 0 : i32
    %dma_start3A_11 = tpu.memref_slice %arg3[%add3A_9, %dma_start3A_10] : memref<4096x8192xi32, #tpu.memory_space<hbm>> -> memref<1x8192xi32, #tpu.memory_space<hbm>>
    %dma_start3A_12 = tpu.memref_squeeze %dma_start3A_11 : memref<1x8192xi32, #tpu.memory_space<hbm>> -> memref<8192xi32, #tpu.memory_space<hbm>>
    %dma_start3A_13 = arith.constant 0 : i32
    %dma_start3A_14 = tpu.memref_slice %arg3[%add3A_9, %dma_start3A_13] : memref<4096x8192xi32, #tpu.memory_space<hbm>> -> memref<1x8192xi32, #tpu.memory_space<hbm>>
    %dma_start3A_15 = tpu.memref_squeeze %dma_start3A_14 : memref<1x8192xi32, #tpu.memory_space<hbm>> -> memref<8192xi32, #tpu.memory_space<hbm>>
    tpu.enqueue_dma source(%dma_start3A_15 : memref<8192xi32, #tpu.memory_space<hbm>>) target(%arg9 : memref<8192xi32, #tpu.memory_space<vmem>>) target_semaphore(%arg17 : memref<!tpu.dma_semaphore, #tpu.memory_space<semaphore_mem>>)
    %add3A_16 = arith.constant 32 : i32
    %add3A_17 = arith.addi %add3A, %add3A_16 : i32
    %dma_start3A_18 = arith.constant 0 : i32
    %dma_start3A_19 = tpu.memref_slice %arg2[%add3A_17, %dma_start3A_18] : memref<4096x8192xf32, #tpu.memory_space<hbm>> -> memref<1x8192xf32, #tpu.memory_space<hbm>>
    %dma_start3A_20 = tpu.memref_squeeze %dma_start3A_19 : memref<1x8192xf32, #tpu.memory_space<hbm>> -> memref<8192xf32, #tpu.memory_space<hbm>>
    %dma_start3A_21 = arith.constant 0 : i32
    %dma_start3A_22 = tpu.memref_slice %arg2[%add3A_17, %dma_start3A_21] : memref<4096x8192xf32, #tpu.memory_space<hbm>> -> memref<1x8192xf32, #tpu.memory_space<hbm>>
    %dma_start3A_23 = tpu.memref_squeeze %dma_start3A_22 : memref<1x8192xf32, #tpu.memory_space<hbm>> -> memref<8192xf32, #tpu.memory_space<hbm>>
    tpu.enqueue_dma source(%dma_start3A_23 : memref<8192xf32, #tpu.memory_space<hbm>>) target(%arg6 : memref<8192xf32, #tpu.memory_space<vmem>>) target_semaphore(%arg18 : memref<!tpu.dma_semaphore, #tpu.memory_space<semaphore_mem>>)
    %add3A_24 = arith.constant 32 : i32
    %add3A_25 = arith.addi %add3A, %add3A_24 : i32
    %dma_start3A_26 = arith.constant 0 : i32
    %dma_start3A_27 = tpu.memref_slice %arg3[%add3A_25, %dma_start3A_26] : memref<4096x8192xi32, #tpu.memory_space<hbm>> -> memref<1x8192xi32, #tpu.memory_space<hbm>>
    %dma_start3A_28 = tpu.memref_squeeze %dma_start3A_27 : memref<1x8192xi32, #tpu.memory_space<hbm>> -> memref<8192xi32, #tpu.memory_space<hbm>>
    %dma_start3A_29 = arith.constant 0 : i32
    %dma_start3A_30 = tpu.memref_slice %arg3[%add3A_25, %dma_start3A_29] : memref<4096x8192xi32, #tpu.memory_space<hbm>> -> memref<1x8192xi32, #tpu.memory_space<hbm>>
    %dma_start3A_31 = tpu.memref_squeeze %dma_start3A_30 : memref<1x8192xi32, #tpu.memory_space<hbm>> -> memref<8192xi32, #tpu.memory_space<hbm>>
    tpu.enqueue_dma source(%dma_start3A_31 : memref<8192xi32, #tpu.memory_space<hbm>>) target(%arg10 : memref<8192xi32, #tpu.memory_space<vmem>>) target_semaphore(%arg18 : memref<!tpu.dma_semaphore, #tpu.memory_space<semaphore_mem>>)
    %add3A_32 = arith.constant 64 : i32
    %add3A_33 = arith.addi %add3A, %add3A_32 : i32
    %dma_start3A_34 = arith.constant 0 : i32
    %dma_start3A_35 = tpu.memref_slice %arg2[%add3A_33, %dma_start3A_34] : memref<4096x8192xf32, #tpu.memory_space<hbm>> -> memref<1x8192xf32, #tpu.memory_space<hbm>>
    %dma_start3A_36 = tpu.memref_squeeze %dma_start3A_35 : memref<1x8192xf32, #tpu.memory_space<hbm>> -> memref<8192xf32, #tpu.memory_space<hbm>>
    %dma_start3A_37 = arith.constant 0 : i32
    %dma_start3A_38 = tpu.memref_slice %arg2[%add3A_33, %dma_start3A_37] : memref<4096x8192xf32, #tpu.memory_space<hbm>> -> memref<1x8192xf32, #tpu.memory_space<hbm>>
    %dma_start3A_39 = tpu.memref_squeeze %dma_start3A_38 : memref<1x8192xf32, #tpu.memory_space<hbm>> -> memref<8192xf32, #tpu.memory_space<hbm>>
    tpu.enqueue_dma source(%dma_start3A_39 : memref<8192xf32, #tpu.memory_space<hbm>>) target(%arg7 : memref<8192xf32, #tpu.memory_space<vmem>>) target_semaphore(%arg19 : memref<!tpu.dma_semaphore, #tpu.memory_space<semaphore_mem>>)
    %add3A_40 = arith.constant 64 : i32
    %add3A_41 = arith.addi %add3A, %add3A_40 : i32
    %dma_start3A_42 = arith.constant 0 : i32
    %dma_start3A_43 = tpu.memref_slice %arg3[%add3A_41, %dma_start3A_42] : memref<4096x8192xi32, #tpu.memory_space<hbm>> -> memref<1x8192xi32, #tpu.memory_space<hbm>>
    %dma_start3A_44 = tpu.memref_squeeze %dma_start3A_43 : memref<1x8192xi32, #tpu.memory_space<hbm>> -> memref<8192xi32, #tpu.memory_space<hbm>>
    %dma_start3A_45 = arith.constant 0 : i32
    %dma_start3A_46 = tpu.memref_slice %arg3[%add3A_41, %dma_start3A_45] : memref<4096x8192xi32, #tpu.memory_space<hbm>> -> memref<1x8192xi32, #tpu.memory_space<hbm>>
    %dma_start3A_47 = tpu.memref_squeeze %dma_start3A_46 : memref<1x8192xi32, #tpu.memory_space<hbm>> -> memref<8192xi32, #tpu.memory_space<hbm>>
    tpu.enqueue_dma source(%dma_start3A_47 : memref<8192xi32, #tpu.memory_space<hbm>>) target(%arg11 : memref<8192xi32, #tpu.memory_space<vmem>>) target_semaphore(%arg19 : memref<!tpu.dma_semaphore, #tpu.memory_space<semaphore_mem>>)
    %scan3A = arith.constant 0 : i32
    %scan3A_48 = arith.constant 0 : i32
    %scan3A_49 = arith.constant 32 : i32
    %scan3A_50 = arith.addi %scan3A_48, %scan3A_49 : i32
    %scan3A_51 = arith.constant 1 : i32
    scf.for %scan3A_84 = %scan3A_48 to %scan3A_50 step %scan3A_51  : i32 {
      %mul3A_85 = arith.constant 4 : i32
      %mul3A_86 = arith.muli %scan3A_84, %mul3A_85 : i32
      %add3A_87 = arith.constant 0 : i32
      %add3A_88 = arith.addi %mul3A_86, %add3A_87 : i32
      %mul3A_89 = arith.constant 32 : i32
      %mul3A_90 = arith.muli %add3A_88, %mul3A_89 : i32
      %add3A_91 = arith.addi %add3A, %mul3A_90 : i32
      %add3A_92 = arith.constant 4 : i32
      %add3A_93 = arith.addi %add3A_88, %add3A_92 : i32
      %sub3A = arith.constant 1 : i32
      %sub3A_94 = arith.subi %add3A_93, %sub3A : i32
      %lt3A = arith.constant 128 : i32
      %lt3A_95 = arith.cmpi slt, %sub3A_94, %lt3A : i32
      %convert_element_type3A = arith.extui %lt3A_95 : i1 to i32
      %cond3A = arith.constant 0 : i32
      %cond3A_96 = arith.cmpi ne, %convert_element_type3A, %cond3A : i32
      scf.if %cond3A_96 {
        %add3A_247 = arith.constant 4 : i32
        %add3A_248 = arith.addi %add3A_88, %add3A_247 : i32
        %sub3A_249 = arith.constant 1 : i32
        %sub3A_250 = arith.subi %add3A_248, %sub3A_249 : i32
        %mul3A_251 = arith.constant 32 : i32
        %mul3A_252 = arith.muli %sub3A_250, %mul3A_251 : i32
        %add3A_253 = arith.addi %add3A, %mul3A_252 : i32
        %dma_start3A_254 = arith.constant 0 : i32
        %dma_start3A_255 = tpu.memref_slice %arg2[%add3A_253, %dma_start3A_254] : memref<4096x8192xf32, #tpu.memory_space<hbm>> -> memref<1x8192xf32, #tpu.memory_space<hbm>>
        %dma_start3A_256 = tpu.memref_squeeze %dma_start3A_255 : memref<1x8192xf32, #tpu.memory_space<hbm>> -> memref<8192xf32, #tpu.memory_space<hbm>>
        %dma_start3A_257 = arith.constant 0 : i32
        %dma_start3A_258 = tpu.memref_slice %arg2[%add3A_253, %dma_start3A_257] : memref<4096x8192xf32, #tpu.memory_space<hbm>> -> memref<1x8192xf32, #tpu.memory_space<hbm>>
        %dma_start3A_259 = tpu.memref_squeeze %dma_start3A_258 : memref<1x8192xf32, #tpu.memory_space<hbm>> -> memref<8192xf32, #tpu.memory_space<hbm>>
        tpu.enqueue_dma source(%dma_start3A_259 : memref<8192xf32, #tpu.memory_space<hbm>>) target(%arg8 : memref<8192xf32, #tpu.memory_space<vmem>>) target_semaphore(%arg20 : memref<!tpu.dma_semaphore, #tpu.memory_space<semaphore_mem>>)
        %add3A_260 = arith.constant 4 : i32
        %add3A_261 = arith.addi %add3A_88, %add3A_260 : i32
        %sub3A_262 = arith.constant 1 : i32
        %sub3A_263 = arith.subi %add3A_261, %sub3A_262 : i32
        %mul3A_264 = arith.constant 32 : i32
        %mul3A_265 = arith.muli %sub3A_263, %mul3A_264 : i32
        %add3A_266 = arith.addi %add3A, %mul3A_265 : i32
        %dma_start3A_267 = arith.constant 0 : i32
        %dma_start3A_268 = tpu.memref_slice %arg3[%add3A_266, %dma_start3A_267] : memref<4096x8192xi32, #tpu.memory_space<hbm>> -> memref<1x8192xi32, #tpu.memory_space<hbm>>
        %dma_start3A_269 = tpu.memref_squeeze %dma_start3A_268 : memref<1x8192xi32, #tpu.memory_space<hbm>> -> memref<8192xi32, #tpu.memory_space<hbm>>
        %dma_start3A_270 = arith.constant 0 : i32
        %dma_start3A_271 = tpu.memref_slice %arg3[%add3A_266, %dma_start3A_270] : memref<4096x8192xi32, #tpu.memory_space<hbm>> -> memref<1x8192xi32, #tpu.memory_space<hbm>>
        %dma_start3A_272 = tpu.memref_squeeze %dma_start3A_271 : memref<1x8192xi32, #tpu.memory_space<hbm>> -> memref<8192xi32, #tpu.memory_space<hbm>>
        tpu.enqueue_dma source(%dma_start3A_272 : memref<8192xi32, #tpu.memory_space<hbm>>) target(%arg12 : memref<8192xi32, #tpu.memory_space<vmem>>) target_semaphore(%arg20 : memref<!tpu.dma_semaphore, #tpu.memory_space<semaphore_mem>>)
      } else {
      }
      %dma_wait3A_97 = arith.constant 0 : i32
      %dma_wait3A_98 = tpu.memref_slice %arg2[%add3A_91, %dma_wait3A_97] : memref<4096x8192xf32, #tpu.memory_space<hbm>> -> memref<1x8192xf32, #tpu.memory_space<hbm>>
      %dma_wait3A_99 = tpu.memref_squeeze %dma_wait3A_98 : memref<1x8192xf32, #tpu.memory_space<hbm>> -> memref<8192xf32, #tpu.memory_space<hbm>>
      %dma_wait3A_100 = arith.constant 0 : i32
      %dma_wait3A_101 = tpu.memref_slice %arg2[%add3A_91, %dma_wait3A_100] : memref<4096x8192xf32, #tpu.memory_space<hbm>> -> memref<1x8192xf32, #tpu.memory_space<hbm>>
      %dma_wait3A_102 = tpu.memref_squeeze %dma_wait3A_101 : memref<1x8192xf32, #tpu.memory_space<hbm>> -> memref<8192xf32, #tpu.memory_space<hbm>>
      tpu.wait_dma2 semaphore(%arg17 : memref<!tpu.dma_semaphore, #tpu.memory_space<semaphore_mem>>) src(%dma_wait3A_102 : memref<8192xf32, #tpu.memory_space<hbm>>) dst(%arg5 : memref<8192xf32, #tpu.memory_space<vmem>>)
      %dma_wait3A_103 = arith.constant 0 : i32
      %dma_wait3A_104 = tpu.memref_slice %arg3[%add3A_91, %dma_wait3A_103] : memref<4096x8192xi32, #tpu.memory_space<hbm>> -> memref<1x8192xi32, #tpu.memory_space<hbm>>
      %dma_wait3A_105 = tpu.memref_squeeze %dma_wait3A_104 : memref<1x8192xi32, #tpu.memory_space<hbm>> -> memref<8192xi32, #tpu.memory_space<hbm>>
      %dma_wait3A_106 = arith.constant 0 : i32
      %dma_wait3A_107 = tpu.memref_slice %arg3[%add3A_91, %dma_wait3A_106] : memref<4096x8192xi32, #tpu.memory_space<hbm>> -> memref<1x8192xi32, #tpu.memory_space<hbm>>
      %dma_wait3A_108 = tpu.memref_squeeze %dma_wait3A_107 : memref<1x8192xi32, #tpu.memory_space<hbm>> -> memref<8192xi32, #tpu.memory_space<hbm>>
      tpu.wait_dma2 semaphore(%arg17 : memref<!tpu.dma_semaphore, #tpu.memory_space<semaphore_mem>>) src(%dma_wait3A_108 : memref<8192xi32, #tpu.memory_space<hbm>>) dst(%arg9 : memref<8192xi32, #tpu.memory_space<vmem>>)
      %ge3A = arith.constant 4 : i32
      %ge3A_109 = arith.cmpi sge, %add3A_88, %ge3A : i32
      %convert_element_type3A_110 = arith.extui %ge3A_109 : i1 to i32
      %cond3A_111 = arith.constant 0 : i32
      %cond3A_112 = arith.cmpi ne, %convert_element_type3A_110, %cond3A_111 : i32
      scf.if %cond3A_112 {
        %sub3A_247 = arith.constant 4 : i32
        %sub3A_248 = arith.subi %add3A_88, %sub3A_247 : i32
        %mul3A_249 = arith.constant 32 : i32
        %mul3A_250 = arith.muli %sub3A_248, %mul3A_249 : i32
        %add3A_251 = arith.addi %add3A, %mul3A_250 : i32
        %dma_wait3A_252 = arith.constant 0 : i32
        %dma_wait3A_253 = tpu.memref_slice %arg4[%add3A_251, %dma_wait3A_252] : memref<4096x8192xf32, #tpu.memory_space<hbm>> -> memref<1x8192xf32, #tpu.memory_space<hbm>>
        %dma_wait3A_254 = tpu.memref_squeeze %dma_wait3A_253 : memref<1x8192xf32, #tpu.memory_space<hbm>> -> memref<8192xf32, #tpu.memory_space<hbm>>
        %dma_wait3A_255 = arith.constant 0 : i32
        %dma_wait3A_256 = tpu.memref_slice %arg4[%add3A_251, %dma_wait3A_255] : memref<4096x8192xf32, #tpu.memory_space<hbm>> -> memref<1x8192xf32, #tpu.memory_space<hbm>>
        %dma_wait3A_257 = tpu.memref_squeeze %dma_wait3A_256 : memref<1x8192xf32, #tpu.memory_space<hbm>> -> memref<8192xf32, #tpu.memory_space<hbm>>
        tpu.wait_dma2 semaphore(%arg21 : memref<!tpu.dma_semaphore, #tpu.memory_space<semaphore_mem>>) src(%arg13 : memref<8192xf32, #tpu.memory_space<vmem>>) dst(%dma_wait3A_257 : memref<8192xf32, #tpu.memory_space<hbm>>)
      } else {
      }
      %parallel_loop3A = arith.constant 0 : i32
      %parallel_loop3A_113 = arith.constant 512 : i32
      %parallel_loop3A_114 = arith.constant 1 : i32
      scf.for %parallel_loop3A_247 = %parallel_loop3A to %parallel_loop3A_113 step %parallel_loop3A_114  : i32 {
        %parallel_loop3A_248 = arith.constant 16 : i32
        %parallel_loop3A_249 = arith.muli %parallel_loop3A_247, %parallel_loop3A_248 : i32
        %parallel_loop3A_250 = arith.index_cast %parallel_loop3A_249 : i32 to index
        %parallel_loop3A_251 = tpu.vector_load %arg9[%parallel_loop3A_250] {strides = array<i32>} : memref<8192xi32, #tpu.memory_space<vmem>>, vector<16xi32>,
        %parallel_loop3A_252 = tpu.vector_load_idx %arg5[%parallel_loop3A_251] : memref<8192xf32, #tpu.memory_space<vmem>>[vector<16xi32>], vector<16xf32>,
        %parallel_loop3A_253 = arith.constant 16 : i32
        %parallel_loop3A_254 = arith.muli %parallel_loop3A_247, %parallel_loop3A_253 : i32
        %parallel_loop3A_255 = arith.index_cast %parallel_loop3A_254 : i32 to index
        %parallel_loop3A_256 = tpu.vector_load %arg13[%parallel_loop3A_255] {strides = array<i32>} : memref<8192xf32, #tpu.memory_space<vmem>>, vector<16xf32>,
        tpu.vector_store %arg13[%parallel_loop3A_255], %parallel_loop3A_252 {strides = array<i32>} : memref<8192xf32, #tpu.memory_space<vmem>>, vector<16xf32>,
      } {sc.loop_unroll_factor = 8 : i64, sc.parallel_access}
      %dma_start3A_115 = arith.constant 0 : i32
      %dma_start3A_116 = tpu.memref_slice %arg4[%add3A_91, %dma_start3A_115] : memref<4096x8192xf32, #tpu.memory_space<hbm>> -> memref<1x8192xf32, #tpu.memory_space<hbm>>
      %dma_start3A_117 = tpu.memref_squeeze %dma_start3A_116 : memref<1x8192xf32, #tpu.memory_space<hbm>> -> memref<8192xf32, #tpu.memory_space<hbm>>
      %dma_start3A_118 = arith.constant 0 : i32
      %dma_start3A_119 = tpu.memref_slice %arg4[%add3A_91, %dma_start3A_118] : memref<4096x8192xf32, #tpu.memory_space<hbm>> -> memref<1x8192xf32, #tpu.memory_space<hbm>>
      %dma_start3A_120 = tpu.memref_squeeze %dma_start3A_119 : memref<1x8192xf32, #tpu.memory_space<hbm>> -> memref<8192xf32, #tpu.memory_space<hbm>>
      tpu.enqueue_dma source(%arg13 : memref<8192xf32, #tpu.memory_space<vmem>>) target(%dma_start3A_120 : memref<8192xf32, #tpu.memory_space<hbm>>) target_semaphore(%arg21 : memref<!tpu.dma_semaphore, #tpu.memory_space<semaphore_mem>>)
      %mul3A_121 = arith.constant 4 : i32
      %mul3A_122 = arith.muli %scan3A_84, %mul3A_121 : i32
      %add3A_123 = arith.constant 1 : i32
      %add3A_124 = arith.addi %mul3A_122, %add3A_123 : i32
      %mul3A_125 = arith.constant 32 : i32
      %mul3A_126 = arith.muli %add3A_124, %mul3A_125 : i32
      %add3A_127 = arith.addi %add3A, %mul3A_126 : i32
      %add3A_128 = arith.constant 4 : i32
      %add3A_129 = arith.addi %add3A_124, %add3A_128 : i32
      %sub3A_130 = arith.constant 1 : i32
      %sub3A_131 = arith.subi %add3A_129, %sub3A_130 : i32
      %lt3A_132 = arith.constant 128 : i32
      %lt3A_133 = arith.cmpi slt, %sub3A_131, %lt3A_132 : i32
      %convert_element_type3A_134 = arith.extui %lt3A_133 : i1 to i32
      %cond3A_135 = arith.constant 0 : i32
      %cond3A_136 = arith.cmpi ne, %convert_element_type3A_134, %cond3A_135 : i32
      scf.if %cond3A_136 {
        %add3A_247 = arith.constant 4 : i32
        %add3A_248 = arith.addi %add3A_124, %add3A_247 : i32
        %sub3A_249 = arith.constant 1 : i32
        %sub3A_250 = arith.subi %add3A_248, %sub3A_249 : i32
        %mul3A_251 = arith.constant 32 : i32
        %mul3A_252 = arith.muli %sub3A_250, %mul3A_251 : i32
        %add3A_253 = arith.addi %add3A, %mul3A_252 : i32
        %dma_start3A_254 = arith.constant 0 : i32
        %dma_start3A_255 = tpu.memref_slice %arg2[%add3A_253, %dma_start3A_254] : memref<4096x8192xf32, #tpu.memory_space<hbm>> -> memref<1x8192xf32, #tpu.memory_space<hbm>>
        %dma_start3A_256 = tpu.memref_squeeze %dma_start3A_255 : memref<1x8192xf32, #tpu.memory_space<hbm>> -> memref<8192xf32, #tpu.memory_space<hbm>>
        %dma_start3A_257 = arith.constant 0 : i32
        %dma_start3A_258 = tpu.memref_slice %arg2[%add3A_253, %dma_start3A_257] : memref<4096x8192xf32, #tpu.memory_space<hbm>> -> memref<1x8192xf32, #tpu.memory_space<hbm>>
        %dma_start3A_259 = tpu.memref_squeeze %dma_start3A_258 : memref<1x8192xf32, #tpu.memory_space<hbm>> -> memref<8192xf32, #tpu.memory_space<hbm>>
        tpu.enqueue_dma source(%dma_start3A_259 : memref<8192xf32, #tpu.memory_space<hbm>>) target(%arg5 : memref<8192xf32, #tpu.memory_space<vmem>>) target_semaphore(%arg17 : memref<!tpu.dma_semaphore, #tpu.memory_space<semaphore_mem>>)
        %add3A_260 = arith.constant 4 : i32
        %add3A_261 = arith.addi %add3A_124, %add3A_260 : i32
        %sub3A_262 = arith.constant 1 : i32
        %sub3A_263 = arith.subi %add3A_261, %sub3A_262 : i32
        %mul3A_264 = arith.constant 32 : i32
        %mul3A_265 = arith.muli %sub3A_263, %mul3A_264 : i32
        %add3A_266 = arith.addi %add3A, %mul3A_265 : i32
        %dma_start3A_267 = arith.constant 0 : i32
        %dma_start3A_268 = tpu.memref_slice %arg3[%add3A_266, %dma_start3A_267] : memref<4096x8192xi32, #tpu.memory_space<hbm>> -> memref<1x8192xi32, #tpu.memory_space<hbm>>
        %dma_start3A_269 = tpu.memref_squeeze %dma_start3A_268 : memref<1x8192xi32, #tpu.memory_space<hbm>> -> memref<8192xi32, #tpu.memory_space<hbm>>
        %dma_start3A_270 = arith.constant 0 : i32
        %dma_start3A_271 = tpu.memref_slice %arg3[%add3A_266, %dma_start3A_270] : memref<4096x8192xi32, #tpu.memory_space<hbm>> -> memref<1x8192xi32, #tpu.memory_space<hbm>>
        %dma_start3A_272 = tpu.memref_squeeze %dma_start3A_271 : memref<1x8192xi32, #tpu.memory_space<hbm>> -> memref<8192xi32, #tpu.memory_space<hbm>>
        tpu.enqueue_dma source(%dma_start3A_272 : memref<8192xi32, #tpu.memory_space<hbm>>) target(%arg9 : memref<8192xi32, #tpu.memory_space<vmem>>) target_semaphore(%arg17 : memref<!tpu.dma_semaphore, #tpu.memory_space<semaphore_mem>>)
      } else {
      }
      %dma_wait3A_137 = arith.constant 0 : i32
      %dma_wait3A_138 = tpu.memref_slice %arg2[%add3A_127, %dma_wait3A_137] : memref<4096x8192xf32, #tpu.memory_space<hbm>> -> memref<1x8192xf32, #tpu.memory_space<hbm>>
      %dma_wait3A_139 = tpu.memref_squeeze %dma_wait3A_138 : memref<1x8192xf32, #tpu.memory_space<hbm>> -> memref<8192xf32, #tpu.memory_space<hbm>>
      %dma_wait3A_140 = arith.constant 0 : i32
      %dma_wait3A_141 = tpu.memref_slice %arg2[%add3A_127, %dma_wait3A_140] : memref<4096x8192xf32, #tpu.memory_space<hbm>> -> memref<1x8192xf32, #tpu.memory_space<hbm>>
      %dma_wait3A_142 = tpu.memref_squeeze %dma_wait3A_141 : memref<1x8192xf32, #tpu.memory_space<hbm>> -> memref<8192xf32, #tpu.memory_space<hbm>>
      tpu.wait_dma2 semaphore(%arg18 : memref<!tpu.dma_semaphore, #tpu.memory_space<semaphore_mem>>) src(%dma_wait3A_142 : memref<8192xf32, #tpu.memory_space<hbm>>) dst(%arg6 : memref<8192xf32, #tpu.memory_space<vmem>>)
      %dma_wait3A_143 = arith.constant 0 : i32
      %dma_wait3A_144 = tpu.memref_slice %arg3[%add3A_127, %dma_wait3A_143] : memref<4096x8192xi32, #tpu.memory_space<hbm>> -> memref<1x8192xi32, #tpu.memory_space<hbm>>
      %dma_wait3A_145 = tpu.memref_squeeze %dma_wait3A_144 : memref<1x8192xi32, #tpu.memory_space<hbm>> -> memref<8192xi32, #tpu.memory_space<hbm>>
      %dma_wait3A_146 = arith.constant 0 : i32
      %dma_wait3A_147 = tpu.memref_slice %arg3[%add3A_127, %dma_wait3A_146] : memref<4096x8192xi32, #tpu.memory_space<hbm>> -> memref<1x8192xi32, #tpu.memory_space<hbm>>
      %dma_wait3A_148 = tpu.memref_squeeze %dma_wait3A_147 : memref<1x8192xi32, #tpu.memory_space<hbm>> -> memref<8192xi32, #tpu.memory_space<hbm>>
      tpu.wait_dma2 semaphore(%arg18 : memref<!tpu.dma_semaphore, #tpu.memory_space<semaphore_mem>>) src(%dma_wait3A_148 : memref<8192xi32, #tpu.memory_space<hbm>>) dst(%arg10 : memref<8192xi32, #tpu.memory_space<vmem>>)
      %ge3A_149 = arith.constant 4 : i32
      %ge3A_150 = arith.cmpi sge, %add3A_124, %ge3A_149 : i32
      %convert_element_type3A_151 = arith.extui %ge3A_150 : i1 to i32
      %cond3A_152 = arith.constant 0 : i32
      %cond3A_153 = arith.cmpi ne, %convert_element_type3A_151, %cond3A_152 : i32
      scf.if %cond3A_153 {
        %sub3A_247 = arith.constant 4 : i32
        %sub3A_248 = arith.subi %add3A_124, %sub3A_247 : i32
        %mul3A_249 = arith.constant 32 : i32
        %mul3A_250 = arith.muli %sub3A_248, %mul3A_249 : i32
        %add3A_251 = arith.addi %add3A, %mul3A_250 : i32
        %dma_wait3A_252 = arith.constant 0 : i32
        %dma_wait3A_253 = tpu.memref_slice %arg4[%add3A_251, %dma_wait3A_252] : memref<4096x8192xf32, #tpu.memory_space<hbm>> -> memref<1x8192xf32, #tpu.memory_space<hbm>>
        %dma_wait3A_254 = tpu.memref_squeeze %dma_wait3A_253 : memref<1x8192xf32, #tpu.memory_space<hbm>> -> memref<8192xf32, #tpu.memory_space<hbm>>
        %dma_wait3A_255 = arith.constant 0 : i32
        %dma_wait3A_256 = tpu.memref_slice %arg4[%add3A_251, %dma_wait3A_255] : memref<4096x8192xf32, #tpu.memory_space<hbm>> -> memref<1x8192xf32, #tpu.memory_space<hbm>>
        %dma_wait3A_257 = tpu.memref_squeeze %dma_wait3A_256 : memref<1x8192xf32, #tpu.memory_space<hbm>> -> memref<8192xf32, #tpu.memory_space<hbm>>
        tpu.wait_dma2 semaphore(%arg22 : memref<!tpu.dma_semaphore, #tpu.memory_space<semaphore_mem>>) src(%arg14 : memref<8192xf32, #tpu.memory_space<vmem>>) dst(%dma_wait3A_257 : memref<8192xf32, #tpu.memory_space<hbm>>)
      } else {
      }
      %parallel_loop3A_154 = arith.constant 0 : i32
      %parallel_loop3A_155 = arith.constant 512 : i32
      %parallel_loop3A_156 = arith.constant 1 : i32
      scf.for %parallel_loop3A_247 = %parallel_loop3A_154 to %parallel_loop3A_155 step %parallel_loop3A_156  : i32 {
        %parallel_loop3A_248 = arith.constant 16 : i32
        %parallel_loop3A_249 = arith.muli %parallel_loop3A_247, %parallel_loop3A_248 : i32
        %parallel_loop3A_250 = arith.index_cast %parallel_loop3A_249 : i32 to index
        %parallel_loop3A_251 = tpu.vector_load %arg10[%parallel_loop3A_250] {strides = array<i32>} : memref<8192xi32, #tpu.memory_space<vmem>>, vector<16xi32>,
        %parallel_loop3A_252 = tpu.vector_load_idx %arg6[%parallel_loop3A_251] : memref<8192xf32, #tpu.memory_space<vmem>>[vector<16xi32>], vector<16xf32>,
        %parallel_loop3A_253 = arith.constant 16 : i32
        %parallel_loop3A_254 = arith.muli %parallel_loop3A_247, %parallel_loop3A_253 : i32
        %parallel_loop3A_255 = arith.index_cast %parallel_loop3A_254 : i32 to index
        %parallel_loop3A_256 = tpu.vector_load %arg14[%parallel_loop3A_255] {strides = array<i32>} : memref<8192xf32, #tpu.memory_space<vmem>>, vector<16xf32>,
        tpu.vector_store %arg14[%parallel_loop3A_255], %parallel_loop3A_252 {strides = array<i32>} : memref<8192xf32, #tpu.memory_space<vmem>>, vector<16xf32>,
      } {sc.loop_unroll_factor = 8 : i64, sc.parallel_access}
      %dma_start3A_157 = arith.constant 0 : i32
      %dma_start3A_158 = tpu.memref_slice %arg4[%add3A_127, %dma_start3A_157] : memref<4096x8192xf32, #tpu.memory_space<hbm>> -> memref<1x8192xf32, #tpu.memory_space<hbm>>
      %dma_start3A_159 = tpu.memref_squeeze %dma_start3A_158 : memref<1x8192xf32, #tpu.memory_space<hbm>> -> memref<8192xf32, #tpu.memory_space<hbm>>
      %dma_start3A_160 = arith.constant 0 : i32
      %dma_start3A_161 = tpu.memref_slice %arg4[%add3A_127, %dma_start3A_160] : memref<4096x8192xf32, #tpu.memory_space<hbm>> -> memref<1x8192xf32, #tpu.memory_space<hbm>>
      %dma_start3A_162 = tpu.memref_squeeze %dma_start3A_161 : memref<1x8192xf32, #tpu.memory_space<hbm>> -> memref<8192xf32, #tpu.memory_space<hbm>>
      tpu.enqueue_dma source(%arg14 : memref<8192xf32, #tpu.memory_space<vmem>>) target(%dma_start3A_162 : memref<8192xf32, #tpu.memory_space<hbm>>) target_semaphore(%arg22 : memref<!tpu.dma_semaphore, #tpu.memory_space<semaphore_mem>>)
      %mul3A_163 = arith.constant 4 : i32
      %mul3A_164 = arith.muli %scan3A_84, %mul3A_163 : i32
      %add3A_165 = arith.constant 2 : i32
      %add3A_166 = arith.addi %mul3A_164, %add3A_165 : i32
      %mul3A_167 = arith.constant 32 : i32
      %mul3A_168 = arith.muli %add3A_166, %mul3A_167 : i32
      %add3A_169 = arith.addi %add3A, %mul3A_168 : i32
      %add3A_170 = arith.constant 4 : i32
      %add3A_171 = arith.addi %add3A_166, %add3A_170 : i32
      %sub3A_172 = arith.constant 1 : i32
      %sub3A_173 = arith.subi %add3A_171, %sub3A_172 : i32
      %lt3A_174 = arith.constant 128 : i32
      %lt3A_175 = arith.cmpi slt, %sub3A_173, %lt3A_174 : i32
      %convert_element_type3A_176 = arith.extui %lt3A_175 : i1 to i32
      %cond3A_177 = arith.constant 0 : i32
      %cond3A_178 = arith.cmpi ne, %convert_element_type3A_176, %cond3A_177 : i32
      scf.if %cond3A_178 {
        %add3A_247 = arith.constant 4 : i32
        %add3A_248 = arith.addi %add3A_166, %add3A_247 : i32
        %sub3A_249 = arith.constant 1 : i32
        %sub3A_250 = arith.subi %add3A_248, %sub3A_249 : i32
        %mul3A_251 = arith.constant 32 : i32
        %mul3A_252 = arith.muli %sub3A_250, %mul3A_251 : i32
        %add3A_253 = arith.addi %add3A, %mul3A_252 : i32
        %dma_start3A_254 = arith.constant 0 : i32
        %dma_start3A_255 = tpu.memref_slice %arg2[%add3A_253, %dma_start3A_254] : memref<4096x8192xf32, #tpu.memory_space<hbm>> -> memref<1x8192xf32, #tpu.memory_space<hbm>>
        %dma_start3A_256 = tpu.memref_squeeze %dma_start3A_255 : memref<1x8192xf32, #tpu.memory_space<hbm>> -> memref<8192xf32, #tpu.memory_space<hbm>>
        %dma_start3A_257 = arith.constant 0 : i32
        %dma_start3A_258 = tpu.memref_slice %arg2[%add3A_253, %dma_start3A_257] : memref<4096x8192xf32, #tpu.memory_space<hbm>> -> memref<1x8192xf32, #tpu.memory_space<hbm>>
        %dma_start3A_259 = tpu.memref_squeeze %dma_start3A_258 : memref<1x8192xf32, #tpu.memory_space<hbm>> -> memref<8192xf32, #tpu.memory_space<hbm>>
        tpu.enqueue_dma source(%dma_start3A_259 : memref<8192xf32, #tpu.memory_space<hbm>>) target(%arg6 : memref<8192xf32, #tpu.memory_space<vmem>>) target_semaphore(%arg18 : memref<!tpu.dma_semaphore, #tpu.memory_space<semaphore_mem>>)
        %add3A_260 = arith.constant 4 : i32
        %add3A_261 = arith.addi %add3A_166, %add3A_260 : i32
        %sub3A_262 = arith.constant 1 : i32
        %sub3A_263 = arith.subi %add3A_261, %sub3A_262 : i32
        %mul3A_264 = arith.constant 32 : i32
        %mul3A_265 = arith.muli %sub3A_263, %mul3A_264 : i32
        %add3A_266 = arith.addi %add3A, %mul3A_265 : i32
        %dma_start3A_267 = arith.constant 0 : i32
        %dma_start3A_268 = tpu.memref_slice %arg3[%add3A_266, %dma_start3A_267] : memref<4096x8192xi32, #tpu.memory_space<hbm>> -> memref<1x8192xi32, #tpu.memory_space<hbm>>
        %dma_start3A_269 = tpu.memref_squeeze %dma_start3A_268 : memref<1x8192xi32, #tpu.memory_space<hbm>> -> memref<8192xi32, #tpu.memory_space<hbm>>
        %dma_start3A_270 = arith.constant 0 : i32
        %dma_start3A_271 = tpu.memref_slice %arg3[%add3A_266, %dma_start3A_270] : memref<4096x8192xi32, #tpu.memory_space<hbm>> -> memref<1x8192xi32, #tpu.memory_space<hbm>>
        %dma_start3A_272 = tpu.memref_squeeze %dma_start3A_271 : memref<1x8192xi32, #tpu.memory_space<hbm>> -> memref<8192xi32, #tpu.memory_space<hbm>>
        tpu.enqueue_dma source(%dma_start3A_272 : memref<8192xi32, #tpu.memory_space<hbm>>) target(%arg10 : memref<8192xi32, #tpu.memory_space<vmem>>) target_semaphore(%arg18 : memref<!tpu.dma_semaphore, #tpu.memory_space<semaphore_mem>>)
      } else {
      }
      %dma_wait3A_179 = arith.constant 0 : i32
      %dma_wait3A_180 = tpu.memref_slice %arg2[%add3A_169, %dma_wait3A_179] : memref<4096x8192xf32, #tpu.memory_space<hbm>> -> memref<1x8192xf32, #tpu.memory_space<hbm>>
      %dma_wait3A_181 = tpu.memref_squeeze %dma_wait3A_180 : memref<1x8192xf32, #tpu.memory_space<hbm>> -> memref<8192xf32, #tpu.memory_space<hbm>>
      %dma_wait3A_182 = arith.constant 0 : i32
      %dma_wait3A_183 = tpu.memref_slice %arg2[%add3A_169, %dma_wait3A_182] : memref<4096x8192xf32, #tpu.memory_space<hbm>> -> memref<1x8192xf32, #tpu.memory_space<hbm>>
      %dma_wait3A_184 = tpu.memref_squeeze %dma_wait3A_183 : memref<1x8192xf32, #tpu.memory_space<hbm>> -> memref<8192xf32, #tpu.memory_space<hbm>>
      tpu.wait_dma2 semaphore(%arg19 : memref<!tpu.dma_semaphore, #tpu.memory_space<semaphore_mem>>) src(%dma_wait3A_184 : memref<8192xf32, #tpu.memory_space<hbm>>) dst(%arg7 : memref<8192xf32, #tpu.memory_space<vmem>>)
      %dma_wait3A_185 = arith.constant 0 : i32
      %dma_wait3A_186 = tpu.memref_slice %arg3[%add3A_169, %dma_wait3A_185] : memref<4096x8192xi32, #tpu.memory_space<hbm>> -> memref<1x8192xi32, #tpu.memory_space<hbm>>
      %dma_wait3A_187 = tpu.memref_squeeze %dma_wait3A_186 : memref<1x8192xi32, #tpu.memory_space<hbm>> -> memref<8192xi32, #tpu.memory_space<hbm>>
      %dma_wait3A_188 = arith.constant 0 : i32
      %dma_wait3A_189 = tpu.memref_slice %arg3[%add3A_169, %dma_wait3A_188] : memref<4096x8192xi32, #tpu.memory_space<hbm>> -> memref<1x8192xi32, #tpu.memory_space<hbm>>
      %dma_wait3A_190 = tpu.memref_squeeze %dma_wait3A_189 : memref<1x8192xi32, #tpu.memory_space<hbm>> -> memref<8192xi32, #tpu.memory_space<hbm>>
      tpu.wait_dma2 semaphore(%arg19 : memref<!tpu.dma_semaphore, #tpu.memory_space<semaphore_mem>>) src(%dma_wait3A_190 : memref<8192xi32, #tpu.memory_space<hbm>>) dst(%arg11 : memref<8192xi32, #tpu.memory_space<vmem>>)
      %ge3A_191 = arith.constant 4 : i32
      %ge3A_192 = arith.cmpi sge, %add3A_166, %ge3A_191 : i32
      %convert_element_type3A_193 = arith.extui %ge3A_192 : i1 to i32
      %cond3A_194 = arith.constant 0 : i32
      %cond3A_195 = arith.cmpi ne, %convert_element_type3A_193, %cond3A_194 : i32
      scf.if %cond3A_195 {
        %sub3A_247 = arith.constant 4 : i32
        %sub3A_248 = arith.subi %add3A_166, %sub3A_247 : i32
        %mul3A_249 = arith.constant 32 : i32
        %mul3A_250 = arith.muli %sub3A_248, %mul3A_249 : i32
        %add3A_251 = arith.addi %add3A, %mul3A_250 : i32
        %dma_wait3A_252 = arith.constant 0 : i32
        %dma_wait3A_253 = tpu.memref_slice %arg4[%add3A_251, %dma_wait3A_252] : memref<4096x8192xf32, #tpu.memory_space<hbm>> -> memref<1x8192xf32, #tpu.memory_space<hbm>>
        %dma_wait3A_254 = tpu.memref_squeeze %dma_wait3A_253 : memref<1x8192xf32, #tpu.memory_space<hbm>> -> memref<8192xf32, #tpu.memory_space<hbm>>
        %dma_wait3A_255 = arith.constant 0 : i32
        %dma_wait3A_256 = tpu.memref_slice %arg4[%add3A_251, %dma_wait3A_255] : memref<4096x8192xf32, #tpu.memory_space<hbm>> -> memref<1x8192xf32, #tpu.memory_space<hbm>>
        %dma_wait3A_257 = tpu.memref_squeeze %dma_wait3A_256 : memref<1x8192xf32, #tpu.memory_space<hbm>> -> memref<8192xf32, #tpu.memory_space<hbm>>
        tpu.wait_dma2 semaphore(%arg23 : memref<!tpu.dma_semaphore, #tpu.memory_space<semaphore_mem>>) src(%arg15 : memref<8192xf32, #tpu.memory_space<vmem>>) dst(%dma_wait3A_257 : memref<8192xf32, #tpu.memory_space<hbm>>)
      } else {
      }
      %parallel_loop3A_196 = arith.constant 0 : i32
      %parallel_loop3A_197 = arith.constant 512 : i32
      %parallel_loop3A_198 = arith.constant 1 : i32
      scf.for %parallel_loop3A_247 = %parallel_loop3A_196 to %parallel_loop3A_197 step %parallel_loop3A_198  : i32 {
        %parallel_loop3A_248 = arith.constant 16 : i32
        %parallel_loop3A_249 = arith.muli %parallel_loop3A_247, %parallel_loop3A_248 : i32
        %parallel_loop3A_250 = arith.index_cast %parallel_loop3A_249 : i32 to index
        %parallel_loop3A_251 = tpu.vector_load %arg11[%parallel_loop3A_250] {strides = array<i32>} : memref<8192xi32, #tpu.memory_space<vmem>>, vector<16xi32>,
        %parallel_loop3A_252 = tpu.vector_load_idx %arg7[%parallel_loop3A_251] : memref<8192xf32, #tpu.memory_space<vmem>>[vector<16xi32>], vector<16xf32>,
        %parallel_loop3A_253 = arith.constant 16 : i32
        %parallel_loop3A_254 = arith.muli %parallel_loop3A_247, %parallel_loop3A_253 : i32
        %parallel_loop3A_255 = arith.index_cast %parallel_loop3A_254 : i32 to index
        %parallel_loop3A_256 = tpu.vector_load %arg15[%parallel_loop3A_255] {strides = array<i32>} : memref<8192xf32, #tpu.memory_space<vmem>>, vector<16xf32>,
        tpu.vector_store %arg15[%parallel_loop3A_255], %parallel_loop3A_252 {strides = array<i32>} : memref<8192xf32, #tpu.memory_space<vmem>>, vector<16xf32>,
      } {sc.loop_unroll_factor = 8 : i64, sc.parallel_access}
      %dma_start3A_199 = arith.constant 0 : i32
      %dma_start3A_200 = tpu.memref_slice %arg4[%add3A_169, %dma_start3A_199] : memref<4096x8192xf32, #tpu.memory_space<hbm>> -> memref<1x8192xf32, #tpu.memory_space<hbm>>
      %dma_start3A_201 = tpu.memref_squeeze %dma_start3A_200 : memref<1x8192xf32, #tpu.memory_space<hbm>> -> memref<8192xf32, #tpu.memory_space<hbm>>
      %dma_start3A_202 = arith.constant 0 : i32
      %dma_start3A_203 = tpu.memref_slice %arg4[%add3A_169, %dma_start3A_202] : memref<4096x8192xf32, #tpu.memory_space<hbm>> -> memref<1x8192xf32, #tpu.memory_space<hbm>>
      %dma_start3A_204 = tpu.memref_squeeze %dma_start3A_203 : memref<1x8192xf32, #tpu.memory_space<hbm>> -> memref<8192xf32, #tpu.memory_space<hbm>>
      tpu.enqueue_dma source(%arg15 : memref<8192xf32, #tpu.memory_space<vmem>>) target(%dma_start3A_204 : memref<8192xf32, #tpu.memory_space<hbm>>) target_semaphore(%arg23 : memref<!tpu.dma_semaphore, #tpu.memory_space<semaphore_mem>>)
      %mul3A_205 = arith.constant 4 : i32
      %mul3A_206 = arith.muli %scan3A_84, %mul3A_205 : i32
      %add3A_207 = arith.constant 3 : i32
      %add3A_208 = arith.addi %mul3A_206, %add3A_207 : i32
      %mul3A_209 = arith.constant 32 : i32
      %mul3A_210 = arith.muli %add3A_208, %mul3A_209 : i32
      %add3A_211 = arith.addi %add3A, %mul3A_210 : i32
      %add3A_212 = arith.constant 4 : i32
      %add3A_213 = arith.addi %add3A_208, %add3A_212 : i32
      %sub3A_214 = arith.constant 1 : i32
      %sub3A_215 = arith.subi %add3A_213, %sub3A_214 : i32
      %lt3A_216 = arith.constant 128 : i32
      %lt3A_217 = arith.cmpi slt, %sub3A_215, %lt3A_216 : i32
      %convert_element_type3A_218 = arith.extui %lt3A_217 : i1 to i32
      %cond3A_219 = arith.constant 0 : i32
      %cond3A_220 = arith.cmpi ne, %convert_element_type3A_218, %cond3A_219 : i32
      scf.if %cond3A_220 {
        %add3A_247 = arith.constant 4 : i32
        %add3A_248 = arith.addi %add3A_208, %add3A_247 : i32
        %sub3A_249 = arith.constant 1 : i32
        %sub3A_250 = arith.subi %add3A_248, %sub3A_249 : i32
        %mul3A_251 = arith.constant 32 : i32
        %mul3A_252 = arith.muli %sub3A_250, %mul3A_251 : i32
        %add3A_253 = arith.addi %add3A, %mul3A_252 : i32
        %dma_start3A_254 = arith.constant 0 : i32
        %dma_start3A_255 = tpu.memref_slice %arg2[%add3A_253, %dma_start3A_254] : memref<4096x8192xf32, #tpu.memory_space<hbm>> -> memref<1x8192xf32, #tpu.memory_space<hbm>>
        %dma_start3A_256 = tpu.memref_squeeze %dma_start3A_255 : memref<1x8192xf32, #tpu.memory_space<hbm>> -> memref<8192xf32, #tpu.memory_space<hbm>>
        %dma_start3A_257 = arith.constant 0 : i32
        %dma_start3A_258 = tpu.memref_slice %arg2[%add3A_253, %dma_start3A_257] : memref<4096x8192xf32, #tpu.memory_space<hbm>> -> memref<1x8192xf32, #tpu.memory_space<hbm>>
        %dma_start3A_259 = tpu.memref_squeeze %dma_start3A_258 : memref<1x8192xf32, #tpu.memory_space<hbm>> -> memref<8192xf32, #tpu.memory_space<hbm>>
        tpu.enqueue_dma source(%dma_start3A_259 : memref<8192xf32, #tpu.memory_space<hbm>>) target(%arg7 : memref<8192xf32, #tpu.memory_space<vmem>>) target_semaphore(%arg19 : memref<!tpu.dma_semaphore, #tpu.memory_space<semaphore_mem>>)
        %add3A_260 = arith.constant 4 : i32
        %add3A_261 = arith.addi %add3A_208, %add3A_260 : i32
        %sub3A_262 = arith.constant 1 : i32
        %sub3A_263 = arith.subi %add3A_261, %sub3A_262 : i32
        %mul3A_264 = arith.constant 32 : i32
        %mul3A_265 = arith.muli %sub3A_263, %mul3A_264 : i32
        %add3A_266 = arith.addi %add3A, %mul3A_265 : i32
        %dma_start3A_267 = arith.constant 0 : i32
        %dma_start3A_268 = tpu.memref_slice %arg3[%add3A_266, %dma_start3A_267] : memref<4096x8192xi32, #tpu.memory_space<hbm>> -> memref<1x8192xi32, #tpu.memory_space<hbm>>
        %dma_start3A_269 = tpu.memref_squeeze %dma_start3A_268 : memref<1x8192xi32, #tpu.memory_space<hbm>> -> memref<8192xi32, #tpu.memory_space<hbm>>
        %dma_start3A_270 = arith.constant 0 : i32
        %dma_start3A_271 = tpu.memref_slice %arg3[%add3A_266, %dma_start3A_270] : memref<4096x8192xi32, #tpu.memory_space<hbm>> -> memref<1x8192xi32, #tpu.memory_space<hbm>>
        %dma_start3A_272 = tpu.memref_squeeze %dma_start3A_271 : memref<1x8192xi32, #tpu.memory_space<hbm>> -> memref<8192xi32, #tpu.memory_space<hbm>>
        tpu.enqueue_dma source(%dma_start3A_272 : memref<8192xi32, #tpu.memory_space<hbm>>) target(%arg11 : memref<8192xi32, #tpu.memory_space<vmem>>) target_semaphore(%arg19 : memref<!tpu.dma_semaphore, #tpu.memory_space<semaphore_mem>>)
      } else {
      }
      %dma_wait3A_221 = arith.constant 0 : i32
      %dma_wait3A_222 = tpu.memref_slice %arg2[%add3A_211, %dma_wait3A_221] : memref<4096x8192xf32, #tpu.memory_space<hbm>> -> memref<1x8192xf32, #tpu.memory_space<hbm>>
      %dma_wait3A_223 = tpu.memref_squeeze %dma_wait3A_222 : memref<1x8192xf32, #tpu.memory_space<hbm>> -> memref<8192xf32, #tpu.memory_space<hbm>>
      %dma_wait3A_224 = arith.constant 0 : i32
      %dma_wait3A_225 = tpu.memref_slice %arg2[%add3A_211, %dma_wait3A_224] : memref<4096x8192xf32, #tpu.memory_space<hbm>> -> memref<1x8192xf32, #tpu.memory_space<hbm>>
      %dma_wait3A_226 = tpu.memref_squeeze %dma_wait3A_225 : memref<1x8192xf32, #tpu.memory_space<hbm>> -> memref<8192xf32, #tpu.memory_space<hbm>>
      tpu.wait_dma2 semaphore(%arg20 : memref<!tpu.dma_semaphore, #tpu.memory_space<semaphore_mem>>) src(%dma_wait3A_226 : memref<8192xf32, #tpu.memory_space<hbm>>) dst(%arg8 : memref<8192xf32, #tpu.memory_space<vmem>>)
      %dma_wait3A_227 = arith.constant 0 : i32
      %dma_wait3A_228 = tpu.memref_slice %arg3[%add3A_211, %dma_wait3A_227] : memref<4096x8192xi32, #tpu.memory_space<hbm>> -> memref<1x8192xi32, #tpu.memory_space<hbm>>
      %dma_wait3A_229 = tpu.memref_squeeze %dma_wait3A_228 : memref<1x8192xi32, #tpu.memory_space<hbm>> -> memref<8192xi32, #tpu.memory_space<hbm>>
      %dma_wait3A_230 = arith.constant 0 : i32
      %dma_wait3A_231 = tpu.memref_slice %arg3[%add3A_211, %dma_wait3A_230] : memref<4096x8192xi32, #tpu.memory_space<hbm>> -> memref<1x8192xi32, #tpu.memory_space<hbm>>
      %dma_wait3A_232 = tpu.memref_squeeze %dma_wait3A_231 : memref<1x8192xi32, #tpu.memory_space<hbm>> -> memref<8192xi32, #tpu.memory_space<hbm>>
      tpu.wait_dma2 semaphore(%arg20 : memref<!tpu.dma_semaphore, #tpu.memory_space<semaphore_mem>>) src(%dma_wait3A_232 : memref<8192xi32, #tpu.memory_space<hbm>>) dst(%arg12 : memref<8192xi32, #tpu.memory_space<vmem>>)
      %ge3A_233 = arith.constant 4 : i32
      %ge3A_234 = arith.cmpi sge, %add3A_208, %ge3A_233 : i32
      %convert_element_type3A_235 = arith.extui %ge3A_234 : i1 to i32
      %cond3A_236 = arith.constant 0 : i32
      %cond3A_237 = arith.cmpi ne, %convert_element_type3A_235, %cond3A_236 : i32
      scf.if %cond3A_237 {
        %sub3A_247 = arith.constant 4 : i32
        %sub3A_248 = arith.subi %add3A_208, %sub3A_247 : i32
        %mul3A_249 = arith.constant 32 : i32
        %mul3A_250 = arith.muli %sub3A_248, %mul3A_249 : i32
        %add3A_251 = arith.addi %add3A, %mul3A_250 : i32
        %dma_wait3A_252 = arith.constant 0 : i32
        %dma_wait3A_253 = tpu.memref_slice %arg4[%add3A_251, %dma_wait3A_252] : memref<4096x8192xf32, #tpu.memory_space<hbm>> -> memref<1x8192xf32, #tpu.memory_space<hbm>>
        %dma_wait3A_254 = tpu.memref_squeeze %dma_wait3A_253 : memref<1x8192xf32, #tpu.memory_space<hbm>> -> memref<8192xf32, #tpu.memory_space<hbm>>
        %dma_wait3A_255 = arith.constant 0 : i32
        %dma_wait3A_256 = tpu.memref_slice %arg4[%add3A_251, %dma_wait3A_255] : memref<4096x8192xf32, #tpu.memory_space<hbm>> -> memref<1x8192xf32, #tpu.memory_space<hbm>>
        %dma_wait3A_257 = tpu.memref_squeeze %dma_wait3A_256 : memref<1x8192xf32, #tpu.memory_space<hbm>> -> memref<8192xf32, #tpu.memory_space<hbm>>
        tpu.wait_dma2 semaphore(%arg24 : memref<!tpu.dma_semaphore, #tpu.memory_space<semaphore_mem>>) src(%arg16 : memref<8192xf32, #tpu.memory_space<vmem>>) dst(%dma_wait3A_257 : memref<8192xf32, #tpu.memory_space<hbm>>)
      } else {
      }
      %parallel_loop3A_238 = arith.constant 0 : i32
      %parallel_loop3A_239 = arith.constant 512 : i32
      %parallel_loop3A_240 = arith.constant 1 : i32
      scf.for %parallel_loop3A_247 = %parallel_loop3A_238 to %parallel_loop3A_239 step %parallel_loop3A_240  : i32 {
        %parallel_loop3A_248 = arith.constant 16 : i32
        %parallel_loop3A_249 = arith.muli %parallel_loop3A_247, %parallel_loop3A_248 : i32
        %parallel_loop3A_250 = arith.index_cast %parallel_loop3A_249 : i32 to index
        %parallel_loop3A_251 = tpu.vector_load %arg12[%parallel_loop3A_250] {strides = array<i32>} : memref<8192xi32, #tpu.memory_space<vmem>>, vector<16xi32>,
        %parallel_loop3A_252 = tpu.vector_load_idx %arg8[%parallel_loop3A_251] : memref<8192xf32, #tpu.memory_space<vmem>>[vector<16xi32>], vector<16xf32>,
        %parallel_loop3A_253 = arith.constant 16 : i32
        %parallel_loop3A_254 = arith.muli %parallel_loop3A_247, %parallel_loop3A_253 : i32
        %parallel_loop3A_255 = arith.index_cast %parallel_loop3A_254 : i32 to index
        %parallel_loop3A_256 = tpu.vector_load %arg16[%parallel_loop3A_255] {strides = array<i32>} : memref<8192xf32, #tpu.memory_space<vmem>>, vector<16xf32>,
        tpu.vector_store %arg16[%parallel_loop3A_255], %parallel_loop3A_252 {strides = array<i32>} : memref<8192xf32, #tpu.memory_space<vmem>>, vector<16xf32>,
      } {sc.loop_unroll_factor = 8 : i64, sc.parallel_access}
      %dma_start3A_241 = arith.constant 0 : i32
      %dma_start3A_242 = tpu.memref_slice %arg4[%add3A_211, %dma_start3A_241] : memref<4096x8192xf32, #tpu.memory_space<hbm>> -> memref<1x8192xf32, #tpu.memory_space<hbm>>
      %dma_start3A_243 = tpu.memref_squeeze %dma_start3A_242 : memref<1x8192xf32, #tpu.memory_space<hbm>> -> memref<8192xf32, #tpu.memory_space<hbm>>
      %dma_start3A_244 = arith.constant 0 : i32
      %dma_start3A_245 = tpu.memref_slice %arg4[%add3A_211, %dma_start3A_244] : memref<4096x8192xf32, #tpu.memory_space<hbm>> -> memref<1x8192xf32, #tpu.memory_space<hbm>>
      %dma_start3A_246 = tpu.memref_squeeze %dma_start3A_245 : memref<1x8192xf32, #tpu.memory_space<hbm>> -> memref<8192xf32, #tpu.memory_space<hbm>>
      tpu.enqueue_dma source(%arg16 : memref<8192xf32, #tpu.memory_space<vmem>>) target(%dma_start3A_246 : memref<8192xf32, #tpu.memory_space<hbm>>) target_semaphore(%arg24 : memref<!tpu.dma_semaphore, #tpu.memory_space<semaphore_mem>>)
    }
    %scan3A_52 = arith.constant 32 : i32
    %add3A_53 = arith.constant 3968 : i32
    %add3A_54 = arith.addi %add3A, %add3A_53 : i32
    %dma_wait3A = arith.constant 0 : i32
    %dma_wait3A_55 = tpu.memref_slice %arg4[%add3A_54, %dma_wait3A] : memref<4096x8192xf32, #tpu.memory_space<hbm>> -> memref<1x8192xf32, #tpu.memory_space<hbm>>
    %dma_wait3A_56 = tpu.memref_squeeze %dma_wait3A_55 : memref<1x8192xf32, #tpu.memory_space<hbm>> -> memref<8192xf32, #tpu.memory_space<hbm>>
    %dma_wait3A_57 = arith.constant 0 : i32
    %dma_wait3A_58 = tpu.memref_slice %arg4[%add3A_54, %dma_wait3A_57] : memref<4096x8192xf32, #tpu.memory_space<hbm>> -> memref<1x8192xf32, #tpu.memory_space<hbm>>
    %dma_wait3A_59 = tpu.memref_squeeze %dma_wait3A_58 : memref<1x8192xf32, #tpu.memory_space<hbm>> -> memref<8192xf32, #tpu.memory_space<hbm>>
    tpu.wait_dma2 semaphore(%arg21 : memref<!tpu.dma_semaphore, #tpu.memory_space<semaphore_mem>>) src(%arg13 : memref<8192xf32, #tpu.memory_space<vmem>>) dst(%dma_wait3A_59 : memref<8192xf32, #tpu.memory_space<hbm>>)
    %add3A_60 = arith.constant 4000 : i32
    %add3A_61 = arith.addi %add3A, %add3A_60 : i32
    %dma_wait3A_62 = arith.constant 0 : i32
    %dma_wait3A_63 = tpu.memref_slice %arg4[%add3A_61, %dma_wait3A_62] : memref<4096x8192xf32, #tpu.memory_space<hbm>> -> memref<1x8192xf32, #tpu.memory_space<hbm>>
    %dma_wait3A_64 = tpu.memref_squeeze %dma_wait3A_63 : memref<1x8192xf32, #tpu.memory_space<hbm>> -> memref<8192xf32, #tpu.memory_space<hbm>>
    %dma_wait3A_65 = arith.constant 0 : i32
    %dma_wait3A_66 = tpu.memref_slice %arg4[%add3A_61, %dma_wait3A_65] : memref<4096x8192xf32, #tpu.memory_space<hbm>> -> memref<1x8192xf32, #tpu.memory_space<hbm>>
    %dma_wait3A_67 = tpu.memref_squeeze %dma_wait3A_66 : memref<1x8192xf32, #tpu.memory_space<hbm>> -> memref<8192xf32, #tpu.memory_space<hbm>>
    tpu.wait_dma2 semaphore(%arg22 : memref<!tpu.dma_semaphore, #tpu.memory_space<semaphore_mem>>) src(%arg14 : memref<8192xf32, #tpu.memory_space<vmem>>) dst(%dma_wait3A_67 : memref<8192xf32, #tpu.memory_space<hbm>>)
    %add3A_68 = arith.constant 4032 : i32
    %add3A_69 = arith.addi %add3A, %add3A_68 : i32
    %dma_wait3A_70 = arith.constant 0 : i32
    %dma_wait3A_71 = tpu.memref_slice %arg4[%add3A_69, %dma_wait3A_70] : memref<4096x8192xf32, #tpu.memory_space<hbm>> -> memref<1x8192xf32, #tpu.memory_space<hbm>>
    %dma_wait3A_72 = tpu.memref_squeeze %dma_wait3A_71 : memref<1x8192xf32, #tpu.memory_space<hbm>> -> memref<8192xf32, #tpu.memory_space<hbm>>
    %dma_wait3A_73 = arith.constant 0 : i32
    %dma_wait3A_74 = tpu.memref_slice %arg4[%add3A_69, %dma_wait3A_73] : memref<4096x8192xf32, #tpu.memory_space<hbm>> -> memref<1x8192xf32, #tpu.memory_space<hbm>>
    %dma_wait3A_75 = tpu.memref_squeeze %dma_wait3A_74 : memref<1x8192xf32, #tpu.memory_space<hbm>> -> memref<8192xf32, #tpu.memory_space<hbm>>
    tpu.wait_dma2 semaphore(%arg23 : memref<!tpu.dma_semaphore, #tpu.memory_space<semaphore_mem>>) src(%arg15 : memref<8192xf32, #tpu.memory_space<vmem>>) dst(%dma_wait3A_75 : memref<8192xf32, #tpu.memory_space<hbm>>)
    %add3A_76 = arith.constant 4064 : i32
    %add3A_77 = arith.addi %add3A, %add3A_76 : i32
    %dma_wait3A_78 = arith.constant 0 : i32
    %dma_wait3A_79 = tpu.memref_slice %arg4[%add3A_77, %dma_wait3A_78] : memref<4096x8192xf32, #tpu.memory_space<hbm>> -> memref<1x8192xf32, #tpu.memory_space<hbm>>
    %dma_wait3A_80 = tpu.memref_squeeze %dma_wait3A_79 : memref<1x8192xf32, #tpu.memory_space<hbm>> -> memref<8192xf32, #tpu.memory_space<hbm>>
    %dma_wait3A_81 = arith.constant 0 : i32
    %dma_wait3A_82 = tpu.memref_slice %arg4[%add3A_77, %dma_wait3A_81] : memref<4096x8192xf32, #tpu.memory_space<hbm>> -> memref<1x8192xf32, #tpu.memory_space<hbm>>
    %dma_wait3A_83 = tpu.memref_squeeze %dma_wait3A_82 : memref<1x8192xf32, #tpu.memory_space<hbm>> -> memref<8192xf32, #tpu.memory_space<hbm>>
    tpu.wait_dma2 semaphore(%arg24 : memref<!tpu.dma_semaphore, #tpu.memory_space<semaphore_mem>>) src(%arg16 : memref<8192xf32, #tpu.memory_space<vmem>>) dst(%dma_wait3A_83 : memref<8192xf32, #tpu.memory_space<hbm>>)
    return
  }
}

</mosaic_0001>

<sc_bundles>
// kernel: kernel.3.cloned.1.call-start
scs
__scs_entry_jumppad:
0x0: {  	(pc) =	sbr.rel $0x88, $3  }
0x1: {  	(tag) =	ssettag $0x0;
	lr =	simm.s32 $0x1  }
0x2: {  	[smem:$0x3F9F] =	sst lr;
	_ =	strace $0xD0000000  }
0x3: {  	_ = 	snop  }
0x4: {  	_ = 	snop  }
0x5: {  	_ = 	snop  }
0x6: {  	_ = 	snop  }
0x7: {  	_ = 	snop  }
__scs_overlays_trampoline_lowered:
0x8: {  	[smem:$0x3FAE] =	sst s0  }
0x9: {  	[smem:$0x3FAF] =	sst s1  }
0xa: {  	[smem:$0x3FB0] =	sst s2  }
0xb: {  	[smem:$0x3FB1] =	sst s3  }
0xc: {  	[smem:$0x3FB2] =	sst s4  }
0xd: {  	[smem:$0x3FB3] =	sst s5  }
0xe: {  	[smem:$0x3FB4] =	sst s6  }
0xf: {  	[smem:$0x3FB5] =	sst s7  }
0x10: {  	[smem:$0x3FB6] =	sst s8  }
0x11: {  	[smem:$0x3FB7] =	sst s9;
	s0 =	simm.s32 @!p0 $0x0  }
0x12: {  	s1 =	sld [smem:$0x3F9D];
	s0 =	simm.s32 @p0 $0x1  }
0x13: {  	[smem:$0x3FB8] =	sst s0;
	s0 =	simm.s32 @!p1 $0x0  }
0x14: {  	s2 =	sld [smem:$0x3F9C];
	s0 =	simm.s32 @p1 $0x1  }
0x15: {  	[smem:$0x3FB9] =	sst s0;
	s0 =	simm.s32 @!p2 $0x0  }
0x16: {  	s3 =	sld [smem:$0x3FDB];
	s0 =	simm.s32 @p2 $0x1  }
0x17: {  	s4 =	simm.s32 $0x1BF5;
	[smem:$0x3FBB] =	sst s0  }
0x18: {  	s0 =	sld [smem:$0x3F9E];
	_ =	swait.ge [sflag:s4], $0x0  }
0x19: {  	s7 =	sld [smem:$0x3F9F]  }
0x1a: {  	s8 =	sadd.s32 $0xFFFFE003, lr  }
0x1b: {  	s9 =	sadd.s32 $0xFFFFFEF7, lr;
	s5 =	simm.s32 $0xFFFFFFFF;
	p2 =	slt.u32 s8, $0xFFFFF086  }
0x1c: {  	p1 =	slt.u32 s9, $0xF7A;
	s5 =	simm.s32 @!p2 $0x0  }
0x1d: {  	s5 =	simm.s32 @p1 $0x1;
	p0 =	seq.s32 s7, s2  }
0x1e: {  	s7 =	smul.u32 @!p0 $0xF7A, s2;
	p2 =	seq.s32 @!p0 s5, $0x0  }
0x1f: {  	s9 =	smul.u32 $0xF7A, s1;
	s8 =	simm.s32 @!p0 $0x1BF5;
	p2 =	por !p2, p0  }
0x20: {  	[sflag:s8] =	ssyncset.s32 @!p0 $0xFFFFF086;
	s6 =	sadd.s32 @!p0 s3, s7;
	s7 =	simm.s32 @!p0 $0x108  }
0x21: {  	s3 =	sadd.s32 s3, s9;
	s6 =	sadd.s32 @!p0 $0x88, s6;
	s7 =	simm.s32 @p2 $0x1082  }
0x22: {  	[simem:s7], [sflag:s8] =	dma.local @!p0 [hbm:s6], $0xF7A  }
0x23: {  	s9 =	sor.u32 $0xD0000000, s2;
	s6 =	simm.s32 $0x108;
	_ =	swait.ge @!p0 [sflag:s8], $0x0  }
0x24: {  	s3 =	sadd.s32 $0x88, s3;
	s6 =	simm.s32 @!p1 $0x1082;
	[sflag:s4] =	ssyncset.s32 $0xFFFFF086  }
0x25: {  	[simem:s6], [sflag:s4] =	dma.local [hbm:s3], $0xF7A  }
0x26: {  	[smem:$0x3F9F] =	sst s1;
	(tag) =	ssettag s2;
	_ =	strace s9  }
0x27: {  	s1 =	sld [smem:$0x3FAF]  }
0x28: {  	s2 =	sld [smem:$0x3FB0]  }
0x29: {  	s4 =	sld [smem:$0x3FB2]  }
0x2a: {  	p0 =	seq.s32 s5, $0x0;
	s5 =	sld [smem:$0x3FB3]  }
0x2b: {  	s6 =	sld [smem:$0x3FB4]  }
0x2c: {  	s7 =	sld [smem:$0x3FB5]  }
0x2d: {  	s3 =	simm.s32 $0x108;
	s8 =	sld [smem:$0x3FB6]  }
0x2e: {  	s3 =	simm.s32 @!p0 $0x1082;
	s9 =	sld [smem:$0x3FB7]  }
0x2f: {  	lr =	sadd.s32 s0, s3;
	s0 =	sld [smem:$0x3FAE]  }
0x30: {  	s3 =	sld [smem:$0x3FB1]  }
0x31: {  	[smem:$0x3FBA] =	sst s10  }
0x32: {  	s10 =	sld [smem:$0x3FB8];
	_ =	sdelay $0x3  }
0x33: {  	p0 =	seq.s32 s10, $0x1;
	s10 =	sld [smem:$0x3FBA];
	_ =	sdelay $0x3  }
0x34: {  	[smem:$0x3FBA] =	sst s10  }
0x35: {  	s10 =	sld [smem:$0x3FB9];
	_ =	sdelay $0x3  }
0x36: {  	p1 =	seq.s32 s10, $0x1;
	s10 =	sld [smem:$0x3FBA];
	_ =	sdelay $0x3  }
0x37: {  	[smem:$0x3FBA] =	sst s10  }
0x38: {  	s10 =	sld [smem:$0x3FBB]  }
0x39: {  	_ = 	snop;
	(pc) =	sbr.ind lr, $3  }
0x3a: {  	_ = 	snop  }
0x3b: {  	_ = 	snop  }
0x3c: {  	p2 =	seq.s32 s10, $0x1;
	s10 =	sld [smem:$0x3FBA]  }
0x3d: {  	_ =	shalt  }
0x3e: {  	_ =	shalt  }
0x3f: {  	_ =	shalt  }
0x40: {  	_ =	shalt  }
0x41: {  	_ =	shalt  }
0x42: {  	_ =	shalt  }
0x43: {  	_ =	shalt  }
0x44: {  	_ =	shalt  }
0x45: {  	_ =	shalt  }
0x46: {  	_ =	shalt  }
0x47: {  	_ =	shalt  }
0x48: {  	_ =	shalt  }
0x49: {  	_ =	shalt  }
0x4a: {  	_ =	shalt  }
0x4b: {  	_ =	shalt  }
0x4c: {  	_ =	shalt  }
0x4d: {  	_ =	shalt  }
0x4e: {  	_ =	shalt  }
0x4f: {  	_ =	shalt  }
0x50: {  	_ =	shalt  }
0x51: {  	_ =	shalt  }
0x52: {  	_ =	shalt  }
0x53: {  	_ =	shalt  }
0x54: {  	_ =	shalt  }
0x55: {  	_ =	shalt  }
0x56: {  	_ =	shalt  }
0x57: {  	_ =	shalt  }
0x58: {  	_ =	shalt  }
0x59: {  	_ =	shalt  }
0x5a: {  	_ =	shalt  }
0x5b: {  	_ =	shalt  }
0x5c: {  	_ =	shalt  }
0x5d: {  	_ =	shalt  }
0x5e: {  	_ =	shalt  }
0x5f: {  	_ =	shalt  }
0x60: {  	_ =	shalt  }
0x61: {  	_ =	shalt  }
0x62: {  	_ =	shalt  }
0x63: {  	_ =	shalt  }
0x64: {  	_ =	shalt  }
0x65: {  	_ =	shalt  }
0x66: {  	_ =	shalt  }
0x67: {  	_ =	shalt  }
0x68: {  	_ =	shalt  }
0x69: {  	_ =	shalt  }
0x6a: {  	_ =	shalt  }
0x6b: {  	_ =	shalt  }
0x6c: {  	_ =	shalt  }
0x6d: {  	_ =	shalt  }
0x6e: {  	_ =	shalt  }
0x6f: {  	_ =	shalt  }
0x70: {  	_ =	shalt  }
0x71: {  	_ =	shalt  }
0x72: {  	_ =	shalt  }
0x73: {  	_ =	shalt  }
0x74: {  	_ =	shalt  }
0x75: {  	_ =	shalt  }
0x76: {  	_ =	shalt  }
0x77: {  	_ =	shalt  }
0x78: {  	_ =	shalt  }
0x79: {  	_ =	shalt  }
0x7a: {  	_ =	shalt  }
0x7b: {  	_ =	shalt  }
0x7c: {  	_ =	shalt  }
0x7d: {  	_ =	shalt  }
0x7e: {  	_ =	shalt  }
0x7f: {  	_ =	shalt  }
0x80: {  	_ =	shalt  }
0x81: {  	_ =	shalt  }
0x82: {  	_ =	shalt  }
0x83: {  	_ =	shalt  }
0x84: {  	_ =	shalt  }
0x85: {  	_ =	shalt  }
0x86: {  	_ =	shalt  }
0x87: {  	_ =	shalt  }
.Lfunc_end0:
.L_simem_size_0:
called_computation_lowered:
.L_overlay_start_0:
0x88: {  	s2 =	sld [smem:$0x3FD9]  }
0x89: {  	s3 =	sld [smem:$0x3FFE];
	_ =	sdelay $0x1  }
0x8a: {  	s1 =	srdreg.scid  }
0x8b: {  	s0 =	sand.u32 $0x1, s1  }
0x8c: {  	s18 =	sshll.u32 s0, $0xA;
	s2 =	sadd.s32 s3, s2  }
0x8d: {  	s2 =	sadd.s32 s2, s18  }
0x8e: {  	[smem:$0x3FC6] =	sst s2  }
0x8f: {  	_ = 	snop  }
0x90: {  	s2 =	sld [smem:$0x3FC9]  }
0x91: {  	s19 =	sld [smem:$0x3FC8]  }
0x92: {  	s4 =	sld [smem:$0x3FD0];
	(tm) =	ssettm $0x1  }
0x93: {  	s5 =	sld [smem:$0x3FFB];
	_ =	sdelay $0x3  }
0x94: {  	_ =	strace s5  }
0x95: {  	s5 =	sld [smem:$0x3FFC];
	_ =	sdelay $0x3  }
0x96: {  	_ =	strace s5  }
0x97: {  	s5 =	sld [smem:$0x3FFD];
	_ =	sdelay $0x3  }
0x98: {  	_ =	strace s5  }
0x99: {  	_ =	strace $0x8FFFFFFF  }
0x9a: {  	s20 =	sld [smem:$0x3FDB];
	_ =	sdelay $0x1  }
0x9b: {  	s6 =	simm.s32 $_scs_section_size  }
0x9c: {  	s7 =	simm.s32 $_size__tile_overlayer_lowered;
	s8 =	simm.s32 $_tile_overlayer_lowered  }
0x9d: {  	s23 =	simm.s32 $0x1BFF;
	s22 =	sshll.u32 s8, $0x1;
	s5 =	sadd.s32 s6, s20  }
0x9e: {  	s9 =	simm.s32 $0x0;
	s21 =	sshll.u32 s7, $0x1;
	s7 =	sadd.s32 s22, s5  }
0x9f: {  	[timem:s9], [sflag:s23] =	dma.local [hbm:s7], s21  }
0xa0: {  	_ =	swait.ge [sflag:s23], s21  }
0xa1: {  	s6 =	ssub.s32 $0x0, s21;
	[sflag:s23] =	ssyncset.done $0x0  }
0xa2: {  	[sflag:s23] =	ssyncadd.s32 s6;
	_ =	sdelay $0x1  }
0xa3: {  	s24 =	simm.s32 $0x1B8B  }
0xa4: {  	_ =	swait.ge [sflag:s24], $0x1  }
0xa5: {  	[sflag:s24] =	ssyncset.done $0x0  }
0xa6: {  	s25 =	simm.s32 $0x1B8E;
	[sflag:s24] =	ssyncadd.s32 $0xFFFFFFFF  }
0xa7: {  	s26 =	simm.s32 $execute0_lowered;
	[smem:$0x3FD2] =	sst s25  }
0xa8: {  	s6 =	sshll.u32 s26, $0x1;
	_ =	strace $0x80000046;
	[dreg:$0x1] =	wrdreg $0xFFFFFFFF  }
0xa9: {  	s28 =	simm.s32 $_size_execute0_lowered;
	s5 =	sadd.s32 s5, s6;
	[dreg:$0x0] =	wrdreg $0x0  }
0xaa: {  	s6 =	sshll.u32 s28, $0x1;
	[dreg:$0x2] =	wrdreg s5  }
0xab: {  	[dreg:$0x3] =	wrdreg s6  }
0xac: {  	[dreg:$0x4] =	wrdreg $0xC0  }
0xad: {  	_ =	task [dreg:s9], $0x5FFFF  }
0xae: {  	[dreg:$0x1] =	wrdreg $0xFFFFFFFF  }
0xaf: {  	[dreg:$0x0] =	wrdreg $0x60  }
0xb0: {  	[dreg:$0x2] =	wrdreg s2  }
0xb1: {  	[dreg:$0x3] =	wrdreg s19  }
0xb2: {  	[dreg:$0x4] =	wrdreg s4  }
0xb3: {  	[dreg:$0x5] =	wrdreg $0x9  }
0xb4: {  	_ =	task.clear_ibuf [dreg:s9], $0x6FFFF;
	_ =	strace $0x90000046  }
0xb5: {  	s29 =	simm.s32 $0x9;
	_ =	strace $0x80000048  }
0xb6: {  	_ =	swait.ge [sflag:s29], $0x1  }
0xb7: {  	[sflag:s29] =	ssyncadd.s32 $0xFFFFFFFF  }
0xb8: {  	_ =	strace $0x90000048  }
0xb9: {  	_ =	sfence  }
0xba: {  	s30 =	sld [smem:$0x0];
	_ =	sdelay $0x2  }
0xbb: {  	s31 =	sshll.u32 s1, $0xD;
	s1 =	sshrl.u32 s1, $0x2  }
0xbc: {  	s3 =	sand.u32 $0x4000, s31;
	s1 =	sadd.s32 s1, s30  }
0xbd: {  	s0 =	sor.u32 s3, s0;
	s1 =	sshll.u32 s1, $0x11  }
0xbe: {  	s0 =	sor.u32 s1, s0  }
0xbf: {  	s0 =	sadd.s32 $0x8F2B, s0  }
0xc0: {  	[sflag:s0] =	ssyncadd.remote.s32 $0x1  }
0xc1: {  	_ =	sfence.sel $0xFFFF  }
0xc2: {  	[dreg:$0x0] =	wrdreg $0xFFFFFFFF;
	(pc) =	sbr.abs _section_cstart, $3  }
0xc3: {  	[dreg:$0x1] =	wrdreg $0xFFFFFFFF  }
0xc4: {  	_ =	task.clear_ibuf [dreg:s9], $0x2FFFF;
	_ =	strace $0x9FFFFFFF  }
0xc5: {  	(tm) =	ssettm $0x7FFFFFFF  }
tec
execute0_lowered:
.L_overlay_start_1:
0x0: {  	(tag) =	ssettag $0x1  }
0x1: {  	s1 =	rddreg [dreg:$0x0]  }
0x2: {  	s3 =	rddreg [dreg:$0x1]  }
0x3: {  	s4 =	rddreg [dreg:$0x2]  }
0x4: {  	s0 =	srdreg.scid;
	s6 =	stileid.u32  }
0x5: {  	s5 =	simm.s32 $0x0;
	s20 =	simm.s32 $0x80;
	s21 =	simm.s32 $0x400  }
0x6: {  	s28 =	simm.s32 $0x6000;
	s30 =	simm.s32 $0x1;
	s22 =	simm.s32 $0x3  }
0x7: {  	s9 =	simm.s32 $0x0;
	s0 =	sand.u32 $0x1, s0;
	s2 =	sshll.u32 s6, $0x5  }
0x8: {  	s6 =	sshll.u32 s6, $0xB;
	[smem:$0x7FF] =	sst s5;
	s17 =	sadd.s32 $0x8000, s4  }
0x9: {  	s18 =	sadd.s32 $0x10000, s4;
	s7 =	sshll.u32 s0, $0x4;
	s2 =	sand.u32 $0x60, s2  }
0xa: {  	s0 =	ssub.s32 $0x2, s0;
	s6 =	sand.u32 $0x6000, s6;
	_ =	strace $0x80000047  }
0xb: {  	s2 =	sor.u32 s7, s2;
	s23 =	sshrl.u32 s0, $0x1;
	s7 =	simm.s32 $0x16000  }
0xc: {  	s6 =	sor.u32 s6, s2;
	s0 =	ssub.s32 s0, s23;
	s23 =	simm.s32 $0x2000  }
0xd: {  	s2 =	sadd.s32 s1, s6;
	s24 =	sadd.s32 s3, s6;
	s25 =	sor.u32 $0x8000, s6  }
0xe: {  	s26 =	sor.u32 $0x10000, s6;
	s13 =	sor.u32 $0x18000, s6;
	[dreg:$0x4] =	wrdreg s2  }
0xf: {  	s14 =	sor.u32 $0x20000, s6;
	s0 =	smax.u32 s0, $0x1;
	[dreg:$0x5] =	wrdreg s24  }
0x10: {  	s15 =	sor.u32 $0x28000, s6;
	s8 =	sadd.s32 s1, s25;
	[dreg:$0xa] =	wrdreg s0  }
0x11: {  	s16 =	sor.u32 $0x30000, s6;
	s2 =	sadd.s32 s3, s25;
	[dreg:$0x6] =	wrdreg s8  }
0x12: {  	s29 =	sadd.s32 s1, s26;
	s31 =	sadd.s32 s3, s26;
	[dreg:$0x7] =	wrdreg s2  }
0x13: {  	s25 =	simm.s32 $0x4000;
	s0 =	simm.s32 $0x2;
	[dreg:$0x8] =	wrdreg s29  }
0x14: {  	s24 =	simm.s32 $0x14000;
	s26 =	simm.s32 $0x4;
	[dreg:$0x9] =	wrdreg s31  }
.LBB2_1:
0x15: {  	[dreg:$0xb] =	wrdreg s9  }
0x16: {  	s2 =	rddreg [dreg:$0x4]  }
0x17: {  	[tilespmem:s5], [sflag:$0x1] =	stream.strided.gather [hbm4b:s2+s20], $0x2000, s21, s20, $0x38;
	[tilespmem:$0x18000] =	vst v63  }
0x18: {  	s9 =	rddreg [dreg:$0x5];
	s8 =	simm.s32 $0x8000  }
0x19: {  	[tilespmem:s8], [sflag:$0x1] =	stream.strided.gather [hbm4b:s9+s20], $0x2000, s21, s20, $0x38;
	[tilespmem:$0x18000] =	vst v63  }
0x1a: {  	s10 =	rddreg [dreg:$0x6]  }
0x1b: {  	[tilespmem:s23], [sflag:$0x2] =	stream.strided.gather [hbm4b:s10+s20], $0x2000, s21, s20, $0x38;
	[tilespmem:$0x18000] =	vst v63  }
0x1c: {  	s11 =	rddreg [dreg:$0x7];
	s12 =	simm.s32 $0xA000  }
0x1d: {  	[tilespmem:s12], [sflag:$0x2] =	stream.strided.gather [hbm4b:s11+s20], $0x2000, s21, s20, $0x38;
	[tilespmem:$0x18000] =	vst v63  }
0x1e: {  	s19 =	rddreg [dreg:$0x8]  }
0x1f: {  	[tilespmem:s25], [sflag:$0x3] =	stream.strided.gather [hbm4b:s19+s20], $0x2000, s21, s20, $0x38;
	[tilespmem:$0x18000] =	vst v63  }
0x20: {  	s29 =	rddreg [dreg:$0x9];
	s31 =	simm.s32 $0xC000;
	s19 =	simm.s32 $0x0  }
0x21: {  	[tilespmem:s31], [sflag:$0x3] =	stream.strided.gather [hbm4b:s29+s20], $0x2000, s21, s20, $0x38;
	[tilespmem:$0x18000] =	vst v63  }
.LBB2_2:
0x22: {  	s9 =	sshll.u32 s19, $0x11  }
0x23: {  	s8 =	sor.u32 s13, s9  }
0x24: {  	s10 =	sadd.s32 s1, s8  }
0x25: {  	[tilespmem:s28], [sflag:$0x4] =	stream.strided.gather [hbm4b:s10+s20], $0x2000, s21, s20, $0x38;
	[tilespmem:$0x18000] =	vst v63  }
0x26: {  	s2 =	simm.s32 $0xE000;
	s12 =	sadd.s32 s3, s8  }
0x27: {  	[tilespmem:s2], [sflag:$0x4] =	stream.strided.gather [hbm4b:s12+s20], $0x2000, s21, s20, $0x38;
	[tilespmem:$0x18000] =	vst v63  }
0x28: {  	_ =	swait.ge [sflag:s30], $0x2000  }
0x29: {  	[sflag:s30] =	ssyncset.done $0x0  }
0x2a: {  	[sflag:s30] =	ssyncadd.s32 $0xFFFFE000  }
0x2b: {  	_ =	swait.ge [sflag:s30], $0x2000  }
0x2c: {  	p0 =	seq.s32 s19, $0x0;
	[sflag:s30] =	ssyncset.done $0x0  }
0x2d: {  	s10 =	simm.s32 @!p0 $0x5;
	[sflag:s30] =	ssyncadd.s32 $0xFFFFE000  }
0x2e: {  	_ =	swait.ge @!p0 [sflag:s10], $0x2000  }
0x2f: {  	[sflag:s10] =	ssyncset.done @!p0 $0x0  }
0x30: {  	s31 =	simm.s32 $0x8040;
	[sflag:s10] =	ssyncadd.s32 @!p0 $0xFFFFE000  }
0x31: {  	v0 =	vld [tilespmem:s31+$0x30]  }
0x32: {  	v1 =	vld [tilespmem:s31+$0xFFFFFFD0]  }
0x33: {  	v2 =	vld [tilespmem:s31+$0xFFFFFFE0]  }
0x34: {  	v3 =	vld [tilespmem:s31+$0xFFFFFFF0]  }
0x35: {  	v5 =	vld [tilespmem:s31+$0x0]  }
0x36: {  	v6 =	vld [tilespmem:s31+$0x10]  }
0x37: {  	v7 =	vld [tilespmem:s31+$0x20]  }
0x38: {  	v8 =	vld [tilespmem:s31+$0xFFFFFFC0]  }
0x39: {  	v9 =	vld.idx.msk [tilespmem:v0+s5+$0x0], $0xffff  }
0x3a: {  	v10 =	vld.idx.msk [tilespmem:v1+s5+$0x0], $0xffff  }
0x3b: {  	v4 =	vld.idx.msk [tilespmem:v2+s5+$0x0], $0xffff  }
0x3c: {  	v3 =	vld.idx.msk [tilespmem:v3+s5+$0x0], $0xffff  }
0x3d: {  	v0 =	vld.idx.msk [tilespmem:v5+s5+$0x0], $0xffff  }
0x3e: {  	s11 =	simm.s32 $0x10040;
	v1 =	vld.idx.msk [tilespmem:v6+s5+$0x0], $0xffff  }
0x3f: {  	v2 =	vld.idx.msk [tilespmem:v7+s5+$0x0], $0xffff;
	[tilespmem:s11+$0x30] =	vst v9  }
0x40: {  	s29 =	simm.s32 $0x80C0;
	s12 =	simm.s32 $0x0;
	s10 =	sor.u32 s9, s6;
	v5 =	vld.idx.msk [tilespmem:v8+s5+$0x0], $0xffff;
	[tilespmem:s11+$0xFFFFFFD0] =	vst v10  }
.LBB2_3:
0x41: {  	v6 =	vld [tilespmem:s29+$0x30];
	s12 =	sadd.s32 $0x8, s12;
	[tilespmem:s11+$0xFFFFFFE0] =	vst v4  }
0x42: {  	v4 =	vld [tilespmem:s29+$0xFFFFFFD0];
	p1 =	slt.u32 s12, $0x1F8;
	[tilespmem:s11+$0xFFFFFFF0] =	vst v3  }
0x43: {  	v3 =	vld [tilespmem:s29+$0xFFFFFFE0];
	[tilespmem:s11+$0x0] =	vst v0  }
0x44: {  	v0 =	vld [tilespmem:s29+$0xFFFFFFF0];
	[tilespmem:s11+$0x10] =	vst v1  }
0x45: {  	v1 =	vld [tilespmem:s29+$0x0];
	[tilespmem:s11+$0x20] =	vst v2  }
0x46: {  	v2 =	vld [tilespmem:s29+$0x10];
	[tilespmem:s11+$0xFFFFFFC0] =	vst v5  }
0x47: {  	v5 =	vld [tilespmem:s29+$0x20]  }
0x48: {  	v7 =	vld [tilespmem:s29+$0xFFFFFFC0]  }
0x49: {  	v6 =	vld.idx.msk [tilespmem:v6+s5+$0x0], $0xffff  }
0x4a: {  	v8 =	vld.idx.msk [tilespmem:v4+s5+$0x0], $0xffff  }
0x4b: {  	v4 =	vld.idx.msk [tilespmem:v3+s5+$0x0], $0xffff  }
.Ltmp0:
0x4c: {  	v3 =	vld.idx.msk [tilespmem:v0+s5+$0x0], $0xffff;
	(pc) =	sbr.rel @p1 .LBB2_3-.Ltmp0, $4  }
0x4d: {  	v0 =	vld.idx.msk [tilespmem:v1+s5+$0x0], $0xffff  }
0x4e: {  	s11 =	sadd.s32 $0x80, s11;
	v1 =	vld.idx.msk [tilespmem:v2+s5+$0x0], $0xffff  }
0x4f: {  	v2 =	vld.idx.msk [tilespmem:v5+s5+$0x0], $0xffff;
	[tilespmem:s11+$0x30] =	vst v6  }
0x50: {  	s29 =	sadd.s32 $0x80, s29;
	v5 =	vld.idx.msk [tilespmem:v7+s5+$0x0], $0xffff;
	[tilespmem:s11+$0xFFFFFFD0] =	vst v8  }
0x51: {  	[tilespmem:s11+$0xFFFFFFE0] =	vst v4  }
0x52: {  	[tilespmem:s11+$0xFFFFFFF0] =	vst v3  }
0x53: {  	[tilespmem:s11+$0x0] =	vst v0  }
0x54: {  	[tilespmem:s11+$0x10] =	vst v1  }
0x55: {  	s12 =	sadd.s32 s4, s10;
	p1 =	seq.s32 s19, $0x1F;
	[tilespmem:s11+$0x20] =	vst v2  }
0x56: {  	s2 =	simm.s32 $0x10000;
	s29 =	simm.s32 @!p1 $0x80;
	[tilespmem:s11+$0xFFFFFFC0] =	vst v5;
	s11 =	sadd.s32 @!p1 s14, s9  }
0x57: {  	[hbm4b:s12+s20] =	stream.strided.scatter [tilespmem:s2], [sflag:$0x5], $0x2000, s21, s20, $0x38;
	[tilespmem:$0x18000] =	vst v63  }
0x58: {  	s31 =	simm.s32 @!p1 $0x400;
	s12 =	sadd.s32 @!p1 s1, s11;
	s2 =	simm.s32 @!p1 $0x0  }
0x59: {  	[tilespmem:s2], [sflag:$0x1] =	stream.strided.gather @!p1 [hbm4b:s12+s29], $0x2000, s31, s29, $0x38;
	[tilespmem:$0x18000] =	vst v63  }
0x5a: {  	s2 =	sadd.s32 @!p1 s3, s11;
	s11 =	simm.s32 @!p1 $0x8000  }
0x5b: {  	[tilespmem:s11], [sflag:$0x1] =	stream.strided.gather @!p1 [hbm4b:s2+s29], $0x2000, s31, s29, $0x38;
	[tilespmem:$0x18000] =	vst v63  }
0x5c: {  	_ =	swait.ge [sflag:s0], $0x2000  }
0x5d: {  	[sflag:s0] =	ssyncset.done $0x0  }
0x5e: {  	[sflag:s0] =	ssyncadd.s32 $0xFFFFE000  }
0x5f: {  	_ =	swait.ge [sflag:s0], $0x2000  }
0x60: {  	[sflag:s0] =	ssyncset.done $0x0  }
0x61: {  	s2 =	simm.s32 @!p0 $0x6;
	[sflag:s0] =	ssyncadd.s32 $0xFFFFE000  }
0x62: {  	_ =	swait.ge @!p0 [sflag:s2], $0x2000  }
0x63: {  	[sflag:s2] =	ssyncset.done @!p0 $0x0  }
0x64: {  	s31 =	simm.s32 $0xA040;
	[sflag:s2] =	ssyncadd.s32 @!p0 $0xFFFFE000  }
0x65: {  	v0 =	vld [tilespmem:s31+$0x30]  }
0x66: {  	v1 =	vld [tilespmem:s31+$0xFFFFFFD0]  }
0x67: {  	v2 =	vld [tilespmem:s31+$0xFFFFFFE0]  }
0x68: {  	v3 =	vld [tilespmem:s31+$0xFFFFFFF0]  }
0x69: {  	v4 =	vld [tilespmem:s31+$0x0]  }
0x6a: {  	v6 =	vld [tilespmem:s31+$0x10]  }
0x6b: {  	v7 =	vld [tilespmem:s31+$0x20]  }
0x6c: {  	v8 =	vld [tilespmem:s31+$0xFFFFFFC0]  }
0x6d: {  	v9 =	vld.idx.msk [tilespmem:v0+s23+$0x0], $0xffff  }
0x6e: {  	v10 =	vld.idx.msk [tilespmem:v1+s23+$0x0], $0xffff  }
0x6f: {  	v5 =	vld.idx.msk [tilespmem:v2+s23+$0x0], $0xffff  }
0x70: {  	v3 =	vld.idx.msk [tilespmem:v3+s23+$0x0], $0xffff  }
0x71: {  	v0 =	vld.idx.msk [tilespmem:v4+s23+$0x0], $0xffff  }
0x72: {  	s11 =	simm.s32 $0x12040;
	v1 =	vld.idx.msk [tilespmem:v6+s23+$0x0], $0xffff  }
0x73: {  	v2 =	vld.idx.msk [tilespmem:v7+s23+$0x0], $0xffff;
	[tilespmem:s11+$0x30] =	vst v9  }
0x74: {  	s12 =	simm.s32 $0x0;
	s29 =	simm.s32 $0xA0C0;
	v4 =	vld.idx.msk [tilespmem:v8+s23+$0x0], $0xffff;
	[tilespmem:s11+$0xFFFFFFD0] =	vst v10  }
.LBB2_5:
0x75: {  	v6 =	vld [tilespmem:s29+$0x30];
	s12 =	sadd.s32 $0x8, s12;
	[tilespmem:s11+$0xFFFFFFE0] =	vst v5  }
0x76: {  	v5 =	vld [tilespmem:s29+$0xFFFFFFD0];
	p2 =	slt.u32 s12, $0x1F8;
	[tilespmem:s11+$0xFFFFFFF0] =	vst v3  }
0x77: {  	v3 =	vld [tilespmem:s29+$0xFFFFFFE0];
	[tilespmem:s11+$0x0] =	vst v0  }
0x78: {  	v0 =	vld [tilespmem:s29+$0xFFFFFFF0];
	[tilespmem:s11+$0x10] =	vst v1  }
0x79: {  	v1 =	vld [tilespmem:s29+$0x0];
	[tilespmem:s11+$0x20] =	vst v2  }
0x7a: {  	v2 =	vld [tilespmem:s29+$0x10];
	[tilespmem:s11+$0xFFFFFFC0] =	vst v4  }
0x7b: {  	v4 =	vld [tilespmem:s29+$0x20]  }
0x7c: {  	v7 =	vld [tilespmem:s29+$0xFFFFFFC0]  }
0x7d: {  	v6 =	vld.idx.msk [tilespmem:v6+s23+$0x0], $0xffff  }
0x7e: {  	v8 =	vld.idx.msk [tilespmem:v5+s23+$0x0], $0xffff  }
0x7f: {  	v5 =	vld.idx.msk [tilespmem:v3+s23+$0x0], $0xffff  }
.Ltmp1:
0x80: {  	v3 =	vld.idx.msk [tilespmem:v0+s23+$0x0], $0xffff;
	(pc) =	sbr.rel @p2 .LBB2_5-.Ltmp1, $4  }
0x81: {  	v0 =	vld.idx.msk [tilespmem:v1+s23+$0x0], $0xffff  }
0x82: {  	s11 =	sadd.s32 $0x80, s11;
	v1 =	vld.idx.msk [tilespmem:v2+s23+$0x0], $0xffff  }
0x83: {  	v2 =	vld.idx.msk [tilespmem:v4+s23+$0x0], $0xffff;
	[tilespmem:s11+$0x30] =	vst v6  }
0x84: {  	s29 =	sadd.s32 $0x80, s29;
	v4 =	vld.idx.msk [tilespmem:v7+s23+$0x0], $0xffff;
	[tilespmem:s11+$0xFFFFFFD0] =	vst v8  }
0x85: {  	[tilespmem:s11+$0xFFFFFFE0] =	vst v5  }
0x86: {  	[tilespmem:s11+$0xFFFFFFF0] =	vst v3  }
0x87: {  	[tilespmem:s11+$0x0] =	vst v0  }
0x88: {  	[tilespmem:s11+$0x10] =	vst v1  }
0x89: {  	[tilespmem:s11+$0x20] =	vst v2  }
0x8a: {  	s2 =	sadd.s32 s10, s17;
	s12 =	simm.s32 $0x12000;
	[tilespmem:s11+$0xFFFFFFC0] =	vst v4  }
0x8b: {  	[hbm4b:s2+s20] =	stream.strided.scatter [tilespmem:s12], [sflag:$0x6], $0x2000, s21, s20, $0x38;
	[tilespmem:$0x18000] =	vst v63  }
0x8c: {  	s29 =	simm.s32 @!p1 $0x400;
	s2 =	sadd.s32 @!p1 s15, s9  }
0x8d: {  	s31 =	simm.s32 @!p1 $0x2000;
	s12 =	simm.s32 @!p1 $0x80;
	s11 =	sadd.s32 @!p1 s1, s2  }
0x8e: {  	[tilespmem:s31], [sflag:$0x2] =	stream.strided.gather @!p1 [hbm4b:s11+s12], $0x2000, s29, s12, $0x38;
	[tilespmem:$0x18000] =	vst v63  }
0x8f: {  	s2 =	sadd.s32 @!p1 s3, s2;
	s11 =	simm.s32 @!p1 $0xA000  }
0x90: {  	[tilespmem:s11], [sflag:$0x2] =	stream.strided.gather @!p1 [hbm4b:s2+s12], $0x2000, s29, s12, $0x38;
	[tilespmem:$0x18000] =	vst v63  }
0x91: {  	_ =	swait.ge [sflag:s22], $0x2000  }
0x92: {  	[sflag:s22] =	ssyncset.done $0x0  }
0x93: {  	[sflag:s22] =	ssyncadd.s32 $0xFFFFE000  }
0x94: {  	_ =	swait.ge [sflag:s22], $0x2000  }
0x95: {  	[sflag:s22] =	ssyncset.done $0x0  }
0x96: {  	s2 =	simm.s32 @!p0 $0x7;
	[sflag:s22] =	ssyncadd.s32 $0xFFFFE000  }
0x97: {  	_ =	swait.ge @!p0 [sflag:s2], $0x2000  }
0x98: {  	[sflag:s2] =	ssyncset.done @!p0 $0x0  }
0x99: {  	s31 =	simm.s32 $0xC040;
	[sflag:s2] =	ssyncadd.s32 @!p0 $0xFFFFE000  }
0x9a: {  	v0 =	vld [tilespmem:s31+$0x30]  }
0x9b: {  	v1 =	vld [tilespmem:s31+$0xFFFFFFD0]  }
0x9c: {  	v2 =	vld [tilespmem:s31+$0xFFFFFFE0]  }
0x9d: {  	v3 =	vld [tilespmem:s31+$0xFFFFFFF0]  }
0x9e: {  	v4 =	vld [tilespmem:s31+$0x0]  }
0x9f: {  	v6 =	vld [tilespmem:s31+$0x10]  }
0xa0: {  	v7 =	vld [tilespmem:s31+$0x20]  }
0xa1: {  	v8 =	vld [tilespmem:s31+$0xFFFFFFC0]  }
0xa2: {  	v9 =	vld.idx.msk [tilespmem:v0+s25+$0x0], $0xffff  }
0xa3: {  	v10 =	vld.idx.msk [tilespmem:v1+s25+$0x0], $0xffff  }
0xa4: {  	v5 =	vld.idx.msk [tilespmem:v2+s25+$0x0], $0xffff  }
0xa5: {  	v3 =	vld.idx.msk [tilespmem:v3+s25+$0x0], $0xffff  }
0xa6: {  	v0 =	vld.idx.msk [tilespmem:v4+s25+$0x0], $0xffff  }
0xa7: {  	s11 =	simm.s32 $0x14040;
	v1 =	vld.idx.msk [tilespmem:v6+s25+$0x0], $0xffff  }
0xa8: {  	v2 =	vld.idx.msk [tilespmem:v7+s25+$0x0], $0xffff;
	[tilespmem:s11+$0x30] =	vst v9  }
0xa9: {  	s12 =	simm.s32 $0x0;
	s29 =	simm.s32 $0xC0C0;
	v4 =	vld.idx.msk [tilespmem:v8+s25+$0x0], $0xffff;
	[tilespmem:s11+$0xFFFFFFD0] =	vst v10  }
.LBB2_7:
0xaa: {  	v6 =	vld [tilespmem:s29+$0x30];
	s12 =	sadd.s32 $0x8, s12;
	[tilespmem:s11+$0xFFFFFFE0] =	vst v5  }
0xab: {  	v5 =	vld [tilespmem:s29+$0xFFFFFFD0];
	p2 =	slt.u32 s12, $0x1F8;
	[tilespmem:s11+$0xFFFFFFF0] =	vst v3  }
0xac: {  	v3 =	vld [tilespmem:s29+$0xFFFFFFE0];
	[tilespmem:s11+$0x0] =	vst v0  }
0xad: {  	v0 =	vld [tilespmem:s29+$0xFFFFFFF0];
	[tilespmem:s11+$0x10] =	vst v1  }
0xae: {  	v1 =	vld [tilespmem:s29+$0x0];
	[tilespmem:s11+$0x20] =	vst v2  }
0xaf: {  	v2 =	vld [tilespmem:s29+$0x10];
	[tilespmem:s11+$0xFFFFFFC0] =	vst v4  }
0xb0: {  	v4 =	vld [tilespmem:s29+$0x20]  }
0xb1: {  	v7 =	vld [tilespmem:s29+$0xFFFFFFC0]  }
0xb2: {  	v6 =	vld.idx.msk [tilespmem:v6+s25+$0x0], $0xffff  }
0xb3: {  	v8 =	vld.idx.msk [tilespmem:v5+s25+$0x0], $0xffff  }
0xb4: {  	v5 =	vld.idx.msk [tilespmem:v3+s25+$0x0], $0xffff  }
.Ltmp2:
0xb5: {  	v3 =	vld.idx.msk [tilespmem:v0+s25+$0x0], $0xffff;
	(pc) =	sbr.rel @p2 .LBB2_7-.Ltmp2, $4  }
0xb6: {  	v0 =	vld.idx.msk [tilespmem:v1+s25+$0x0], $0xffff  }
0xb7: {  	s11 =	sadd.s32 $0x80, s11;
	v1 =	vld.idx.msk [tilespmem:v2+s25+$0x0], $0xffff  }
0xb8: {  	v2 =	vld.idx.msk [tilespmem:v4+s25+$0x0], $0xffff;
	[tilespmem:s11+$0x30] =	vst v6  }
0xb9: {  	s29 =	sadd.s32 $0x80, s29;
	v4 =	vld.idx.msk [tilespmem:v7+s25+$0x0], $0xffff;
	[tilespmem:s11+$0xFFFFFFD0] =	vst v8  }
0xba: {  	[tilespmem:s11+$0xFFFFFFE0] =	vst v5  }
0xbb: {  	[tilespmem:s11+$0xFFFFFFF0] =	vst v3  }
0xbc: {  	[tilespmem:s11+$0x0] =	vst v0  }
0xbd: {  	[tilespmem:s11+$0x10] =	vst v1  }
0xbe: {  	[tilespmem:s11+$0x20] =	vst v2  }
0xbf: {  	s2 =	sadd.s32 s10, s18;
	[tilespmem:s11+$0xFFFFFFC0] =	vst v4  }
0xc0: {  	[hbm4b:s2+s20] =	stream.strided.scatter [tilespmem:s24], [sflag:$0x7], $0x2000, s21, s20, $0x38;
	[tilespmem:$0x18000] =	vst v63  }
0xc1: {  	s10 =	simm.s32 @!p1 $0x80;
	s2 =	sadd.s32 @!p1 s16, s9  }
0xc2: {  	s12 =	simm.s32 @!p1 $0x4000;
	s11 =	simm.s32 @!p1 $0x400;
	s9 =	sadd.s32 @!p1 s1, s2  }
0xc3: {  	[tilespmem:s12], [sflag:$0x3] =	stream.strided.gather @!p1 [hbm4b:s9+s10], $0x2000, s11, s10, $0x38;
	[tilespmem:$0x18000] =	vst v63  }
0xc4: {  	s2 =	sadd.s32 @!p1 s3, s2;
	s9 =	simm.s32 @!p1 $0xC000  }
0xc5: {  	[tilespmem:s9], [sflag:$0x3] =	stream.strided.gather @!p1 [hbm4b:s2+s10], $0x2000, s11, s10, $0x38;
	[tilespmem:$0x18000] =	vst v63  }
0xc6: {  	_ =	swait.ge [sflag:s26], $0x2000  }
0xc7: {  	[sflag:s26] =	ssyncset.done $0x0  }
0xc8: {  	[sflag:s26] =	ssyncadd.s32 $0xFFFFE000  }
0xc9: {  	_ =	swait.ge [sflag:s26], $0x2000  }
0xca: {  	[sflag:s26] =	ssyncset.done $0x0  }
0xcb: {  	s2 =	simm.s32 @!p0 $0x8;
	[sflag:s26] =	ssyncadd.s32 $0xFFFFE000  }
0xcc: {  	_ =	swait.ge @!p0 [sflag:s2], $0x2000  }
0xcd: {  	[sflag:s2] =	ssyncset.done @!p0 $0x0  }
0xce: {  	s31 =	simm.s32 $0xE040;
	[sflag:s2] =	ssyncadd.s32 @!p0 $0xFFFFE000  }
0xcf: {  	v0 =	vld [tilespmem:s31+$0x30]  }
0xd0: {  	v1 =	vld [tilespmem:s31+$0xFFFFFFD0]  }
0xd1: {  	v2 =	vld [tilespmem:s31+$0xFFFFFFE0]  }
0xd2: {  	v3 =	vld [tilespmem:s31+$0xFFFFFFF0]  }
0xd3: {  	v4 =	vld [tilespmem:s31+$0x0]  }
0xd4: {  	v6 =	vld [tilespmem:s31+$0x10]  }
0xd5: {  	v7 =	vld [tilespmem:s31+$0x20]  }
0xd6: {  	v8 =	vld [tilespmem:s31+$0xFFFFFFC0]  }
0xd7: {  	v9 =	vld.idx.msk [tilespmem:v0+s28+$0x0], $0xffff  }
0xd8: {  	v10 =	vld.idx.msk [tilespmem:v1+s28+$0x0], $0xffff  }
0xd9: {  	v5 =	vld.idx.msk [tilespmem:v2+s28+$0x0], $0xffff  }
0xda: {  	v3 =	vld.idx.msk [tilespmem:v3+s28+$0x0], $0xffff  }
0xdb: {  	v0 =	vld.idx.msk [tilespmem:v4+s28+$0x0], $0xffff  }
0xdc: {  	s9 =	simm.s32 $0x16040;
	v1 =	vld.idx.msk [tilespmem:v6+s28+$0x0], $0xffff  }
0xdd: {  	v2 =	vld.idx.msk [tilespmem:v7+s28+$0x0], $0xffff;
	[tilespmem:s9+$0x30] =	vst v9  }
0xde: {  	s10 =	simm.s32 $0x0;
	s11 =	simm.s32 $0xE0C0;
	v4 =	vld.idx.msk [tilespmem:v8+s28+$0x0], $0xffff;
	[tilespmem:s9+$0xFFFFFFD0] =	vst v10  }
.LBB2_9:
0xdf: {  	v6 =	vld [tilespmem:s11+$0x30];
	s10 =	sadd.s32 $0x8, s10;
	[tilespmem:s9+$0xFFFFFFE0] =	vst v5  }
0xe0: {  	v5 =	vld [tilespmem:s11+$0xFFFFFFD0];
	p0 =	slt.u32 s10, $0x1F8;
	[tilespmem:s9+$0xFFFFFFF0] =	vst v3  }
0xe1: {  	v3 =	vld [tilespmem:s11+$0xFFFFFFE0];
	[tilespmem:s9+$0x0] =	vst v0  }
0xe2: {  	v0 =	vld [tilespmem:s11+$0xFFFFFFF0];
	[tilespmem:s9+$0x10] =	vst v1  }
0xe3: {  	v1 =	vld [tilespmem:s11+$0x0];
	[tilespmem:s9+$0x20] =	vst v2  }
0xe4: {  	v2 =	vld [tilespmem:s11+$0x10];
	[tilespmem:s9+$0xFFFFFFC0] =	vst v4  }
0xe5: {  	v4 =	vld [tilespmem:s11+$0x20]  }
0xe6: {  	v7 =	vld [tilespmem:s11+$0xFFFFFFC0]  }
0xe7: {  	v6 =	vld.idx.msk [tilespmem:v6+s28+$0x0], $0xffff  }
0xe8: {  	v8 =	vld.idx.msk [tilespmem:v5+s28+$0x0], $0xffff  }
0xe9: {  	v5 =	vld.idx.msk [tilespmem:v3+s28+$0x0], $0xffff  }
.Ltmp3:
0xea: {  	v3 =	vld.idx.msk [tilespmem:v0+s28+$0x0], $0xffff;
	(pc) =	sbr.rel @p0 .LBB2_9-.Ltmp3, $4  }
0xeb: {  	v0 =	vld.idx.msk [tilespmem:v1+s28+$0x0], $0xffff  }
0xec: {  	s9 =	sadd.s32 $0x80, s9;
	v1 =	vld.idx.msk [tilespmem:v2+s28+$0x0], $0xffff  }
0xed: {  	v2 =	vld.idx.msk [tilespmem:v4+s28+$0x0], $0xffff;
	[tilespmem:s9+$0x30] =	vst v6  }
0xee: {  	s11 =	sadd.s32 $0x80, s11;
	v4 =	vld.idx.msk [tilespmem:v7+s28+$0x0], $0xffff;
	[tilespmem:s9+$0xFFFFFFD0] =	vst v8  }
0xef: {  	[tilespmem:s9+$0xFFFFFFE0] =	vst v5;
	s19 =	sadd.s32 $0x1, s19  }
0xf0: {  	[tilespmem:s9+$0xFFFFFFF0] =	vst v3;
	p0 =	sne.s32 s19, $0x20  }
.Ltmp4:
0xf1: {  	[tilespmem:s9+$0x0] =	vst v0;
	(pc) =	sbr.rel @p0 .LBB2_2-.Ltmp4, $4  }
0xf2: {  	[tilespmem:s9+$0x10] =	vst v1  }
0xf3: {  	[tilespmem:s9+$0x20] =	vst v2  }
0xf4: {  	s2 =	sadd.s32 s4, s8;
	[tilespmem:s9+$0xFFFFFFC0] =	vst v4  }
0xf5: {  	[hbm4b:s2+s20] =	stream.strided.scatter [tilespmem:s7], [sflag:$0x8], $0x2000, s21, s20, $0x38;
	[tilespmem:$0x18000] =	vst v63  }
0xf6: {  	s2 =	simm.s32 $0x5  }
0xf7: {  	_ =	swait.ge [sflag:s2], $0x2000  }
0xf8: {  	[sflag:s2] =	ssyncset.done $0x0  }
0xf9: {  	s19 =	simm.s32 $0x6;
	[sflag:s2] =	ssyncadd.s32 $0xFFFFE000  }
0xfa: {  	_ =	swait.ge [sflag:s19], $0x2000  }
0xfb: {  	[sflag:s19] =	ssyncset.done $0x0  }
0xfc: {  	s29 =	simm.s32 $0x7;
	[sflag:s19] =	ssyncadd.s32 $0xFFFFE000  }
0xfd: {  	_ =	swait.ge [sflag:s29], $0x2000  }
0xfe: {  	[sflag:s29] =	ssyncset.done $0x0  }
0xff: {  	s8 =	simm.s32 $0x8;
	[sflag:s29] =	ssyncadd.s32 $0xFFFFE000  }
0x100: {  	_ =	swait.ge [sflag:s8], $0x2000  }
0x101: {  	s9 =	rddreg [dreg:$0xb]  }
0x102: {  	s31 =	rddreg [dreg:$0xa];
	s9 =	sadd.s32 $0x1, s9  }
0x103: {  	p0 =	sne.s32 s9, s31  }
.Ltmp5:
0x104: {  	_ = 	snop;
	(pc) =	sbr.rel @p0 .LBB2_1-.Ltmp5, $3  }
0x105: {  	_ =	sdelay $0x1  }
0x106: {  	[sflag:s8] =	ssyncset.done $0x0  }
0x107: {  	[sflag:s8] =	ssyncadd.s32 $0xFFFFE000  }
0x108: {  	_ =	sfence.sel $0x180000  }
0x109: {  	[bflag:$0x0] =	sbarrier.arrive $0xFFFF  }
0x10a: {  	_ =	strace $0x90000047  }
0x10b: {  	s0 =	stileid.u32;
	[bflag:$0x2] =	sbarrier.arrive $0xFFFF  }
0x10c: {  	p0 =	sne.s32 s0, $0x0;
	s0 =	rddreg [dreg:$0x3]  }
0x10d: {  	s0 =	sadd.s32 @!p0 $0x100000, s0  }
0x10e: {  	[sflag:s0] =	ssyncadd.tile.s32 @!p0 $0x1;
	_ =	shalt  }
.Lfunc_end2:
_tile_overlayer_lowered:
.L_overlay_start_2:
0x10f: {  	(tag) =	ssettag $0x2  }
0x110: {  	s0 =	rddreg [dreg:$0x0];
	s2 =	stileid.u32  }
0x111: {  	s1 =	rddreg [dreg:$0x1];
	p0 =	sne.s32 s2, $0x0  }
0x112: {  	s3 =	rddreg [dreg:$0x2];
	[bflag:$0x3] =	sbarrier.arrive $0xFFFF;
	s2 =	simm.s32 @!p0 $0x1C09  }
0x113: {  	[timem:s3], [sflag:s2] =	dma.local @!p0 [hbm:s0], s1  }
0x114: {  	s0 =	simm.s32 @!p0 $0x9  }
0x115: {  	_ =	swait.ge @!p0 [sflag:s0], s1  }
0x116: {  	s1 =	ssub.s32 @!p0 $0x0, s1;
	[sflag:s0] =	ssyncset.done @!p0 $0x0  }
0x117: {  	[sflag:s0] =	ssyncadd.s32 @!p0 s1  }
0x118: {  	[bflag:$0x3] =	sbarrier.arrive $0xFFFF  }
0x119: {  	_ =	shalt  }

</sc_bundles>
